<compile_context>
chip_gen: v7x
topology: tpu7x:2x2x1
jax: 0.10.2.dev20260603
libtpu: 0.0.44.dev20260713+nightly
codegen_flags: <defaults>
</compile_context>

<pallas_src>
import functools

import jax
import jax.numpy as jnp
from jax import lax
from jax.experimental import pallas as pl
from jax.experimental.pallas import tpu as pltpu
from jax.experimental.pallas import tpu_sc as plsc

_B = 128
_N = 32768
_BLK = 128
_NBLK = _N // _BLK
_CAP = 256
_NC, _NS, _L = 2, 16, 16
_NW = _NC * _NS
_RPW = _B // _NW
_NEWTON = 12


def _blockmax_kernel(z_ref, bm_ref):
    z = z_ref[:, :]
    bm_ref[:, :] = jnp.max(z.reshape(_B, _NBLK, _BLK), axis=-1)


def _scalar_sum(vec):
    s = vec[0]
    for q in range(1, _L):
        s = s + vec[q]
    return s


def _tau_sc_kernel(z2_hbm, bm_hbm, out_hbm, bm_v, idx_v, cand_v, tau_v, sem):
    wid = lax.axis_index("s") * _NC + lax.axis_index("c")
    lane = lax.iota(jnp.int32, _L)

    bm_cp = pltpu.async_copy(bm_hbm.at[pl.ds(wid * _RPW, _RPW)], bm_v, sem)

    for j in range((_CAP + _L) // _L):
        idx_v[pl.ds(j * _L, _L)] = jnp.zeros((_L,), jnp.int32)
    bm_cp.wait()

    def _row(i, taus):
        r = wid * _RPW + i

        def _mx(j, acc):
            return jnp.maximum(acc, bm_v[i, pl.ds(j * _L, _L)])
        acc = lax.fori_loop(0, _NBLK // _L, _mx,
                            jnp.full((_L,), -3.4e38, jnp.float32))
        rmax = acc[0]
        for j in range(1, _L):
            rmax = jnp.maximum(rmax, acc[j])
        t0 = rmax - 1.0

        def _ext(j, cursor):
            bmv = bm_v[i, pl.ds(j * _L, _L)]
            base = r * _NBLK + j * _L
            for q in range(_L):
                cond = bmv[q] > t0

                @pl.when(jnp.logical_and(cond, cursor < _CAP))
                def _append():
                    idx_v[pl.ds(cursor, _L)] = jnp.full(
                        (_L,), base + q, jnp.int32)
                cursor = jnp.where(cond, cursor + 1, cursor)
            return cursor
        cursor = lax.fori_loop(0, _NBLK // _L, _ext, jnp.zeros((), jnp.int32))
        ncand = jnp.minimum(cursor, _CAP)

        for c in range(_CAP // 32):
            @pl.when(c * 32 < ncand)
            def _gather():
                cp = pltpu.async_copy(
                    z2_hbm.at[idx_v.at[pl.ds(c * 32, 32)]],
                    cand_v.at[pl.ds(c * 32, 32)], sem)
                cp.wait()

        _NSUB = _BLK // _L

        def _newton(_, t):
            def _blk(b, fk):
                faccs, kaccs = fk
                nf, nk = [], []
                for l in range(_NSUB):
                    v = cand_v[b, pl.ds(l * _L, _L)]
                    d = v - t
                    nf.append(faccs[l] + jnp.maximum(d, 0.0))
                    nk.append(kaccs[l] + jnp.where(d > 0.0, 1.0, 0.0))
                return tuple(nf), tuple(nk)
            zero = jnp.zeros((_L,), jnp.float32)
            faccs, kaccs = lax.fori_loop(
                0, ncand, _blk,
                ((zero,) * _NSUB, (zero,) * _NSUB))
            facc, kacc = faccs[0], kaccs[0]
            for l in range(1, _NSUB):
                facc = facc + faccs[l]
                kacc = kacc + kaccs[l]
            fvec = jnp.broadcast_to(_scalar_sum(facc), (_L,))
            kvec = jnp.broadcast_to(_scalar_sum(kacc), (_L,))
            return t + (fvec - 1.0) / jnp.maximum(kvec, 1.0)
        t0vec = jnp.broadcast_to(t0, (_L,))
        t = lax.fori_loop(0, _NEWTON, _newton, t0vec)

        return jnp.where(lane == i, t, taus)

    taus = lax.fori_loop(0, _RPW, _row, jnp.zeros((_L,), jnp.float32))
    tau_v[pl.ds(0, _L)] = taus
    pltpu.sync_copy(tau_v, out_hbm.at[wid])


def _clip_mean_kernel(z_ref, tau_ref, out_ref):
    z = z_ref[:, :]
    tau = tau_ref[:, :]
    p = jnp.maximum(z - tau, 0.0)
    col_mean = jnp.mean(p, axis=0, keepdims=True)
    out_ref[:, :] = jnp.broadcast_to(col_mean, (_B, _N))


def kernel(z):
    bm = pl.pallas_call(
        _blockmax_kernel,
        out_shape=jax.ShapeDtypeStruct((_B, _NBLK), jnp.float32),
    )(z)

    z2 = z.reshape(_B * _NBLK, _BLK)
    mesh = plsc.VectorSubcoreMesh(core_axis_name="c", subcore_axis_name="s")
    tau_w = pl.kernel(
        _tau_sc_kernel,
        out_type=jax.ShapeDtypeStruct((_NW, _L), jnp.float32),
        mesh=mesh,
        scratch_types=[
            pltpu.VMEM((_RPW, _NBLK), jnp.float32),
            pltpu.VMEM((_CAP + _L,), jnp.int32),
            pltpu.VMEM((_CAP, _BLK), jnp.float32),
            pltpu.VMEM((_L,), jnp.float32),
            pltpu.SemaphoreType.DMA,
        ],
    )(z2, bm)

    tau = tau_w[:, :_RPW].reshape(_B, 1)
    return pl.pallas_call(
        _clip_mean_kernel,
        out_shape=jax.ShapeDtypeStruct((_B, _N), z.dtype),
    )(z, tau)

# --- scband reference (transcript-rebuilt; emitter-appended) ---
"""Pipeline reference for scband-sparse-max-66769561583800 (READ-ONLY COPY).

The authoritative reference and input builder live on the scoring server;
editing this copy changes nothing except your own understanding.
"""

import jax, jax.numpy as jnp
import numpy as np


def setup_inputs(seed: int = 0) -> dict:
    key = jax.random.key(seed)
    z = jax.random.normal(key, (128, 32768), dtype=jnp.float32)
    return {"z": z}


def reference(z):
    # sort descending along last dim
    sorted_z = -jnp.sort(-z, axis=-1)
    cumsum = jnp.cumsum(sorted_z, axis=-1)
    col_range = jnp.arange(1, z.shape[-1] + 1, dtype=z.dtype)
    is_gt = 1 + col_range * sorted_z > cumsum
    kz = jnp.sum(is_gt, axis=-1, keepdims=True)  # int, shape [B,1]
    # cumsum[row_range, kz-1] via take_along_axis
    tau_z = (jnp.take_along_axis(cumsum, kz - 1, axis=-1) - 1.0) / kz.astype(z.dtype)
    out = jnp.mean(jnp.clip(z - tau_z, 0.0, None), axis=0)
    return jnp.tile(out[None, :], (z.shape[0], 1))

if __name__ == "__main__":
    import jax
    _d = setup_inputs()
    print(jax.jit(kernel)(*tuple(_d.values())))

</pallas_src>

<mosaic_0001>
#map = affine_map<(d0, d1) -> (0, 0)>
module attributes {stable_mosaic.version = 14 : i64} {
  func.func @_tau_sc_kernel(%arg0: i32, %arg1: i32, %arg2: memref<32768x128xf32, #tpu.memory_space<hbm>>, %arg3: memref<128x256xf32, #tpu.memory_space<hbm>>, %arg4: memref<32x16xf32, #tpu.memory_space<hbm>>, %arg5: memref<4x256xf32, #tpu.memory_space<vmem>>, %arg6: memref<272xi32, #tpu.memory_space<vmem>>, %arg7: memref<256x128xf32, #tpu.memory_space<vmem>>, %arg8: memref<16xf32, #tpu.memory_space<vmem>>, %arg9: memref<!tpu.dma_semaphore, #tpu.memory_space<semaphore_mem>>) attributes {dimension_semantics = [#tpu.dimension_semantics<core_parallel>, #tpu.dimension_semantics<subcore_parallel>], iteration_bounds = array<i64: 2, 16>, scalar_prefetch = 0 : i64, scratch_operands = 5 : i64, tpu.core_type = #tpu.core_type<sc_vector_subcore>, window_params = [{transform_indices = #map}, {transform_indices = #map}, {transform_indices = #map}]} {
    %mul3A = arith.constant 2 : i32
    %mul3A_0 = arith.muli %arg1, %mul3A : i32
    %add3A = arith.addi %mul3A_0, %arg0 : i32
    %iota3A = tpu.iota {dimensions = array<i32: 0>} : vector<16xi32>
    %mul3A_1 = arith.constant 4 : i32
    %mul3A_2 = arith.muli %add3A, %mul3A_1 : i32
    %dma_start3A = arith.constant 0 : i32
    %dma_start3A_3 = tpu.memref_slice %arg3[%mul3A_2, %dma_start3A] : memref<128x256xf32, #tpu.memory_space<hbm>> -> memref<4x256xf32, #tpu.memory_space<hbm>>
    %dma_start3A_4 = arith.constant 0 : i32
    %dma_start3A_5 = tpu.memref_slice %arg3[%mul3A_2, %dma_start3A_4] : memref<128x256xf32, #tpu.memory_space<hbm>> -> memref<4x256xf32, #tpu.memory_space<hbm>>
    tpu.enqueue_dma source(%dma_start3A_5 : memref<4x256xf32, #tpu.memory_space<hbm>>) target(%arg5 : memref<4x256xf32, #tpu.memory_space<vmem>>) target_semaphore(%arg9 : memref<!tpu.dma_semaphore, #tpu.memory_space<semaphore_mem>>)
    %broadcast_in_dim3A = arith.constant 0 : i32
    %broadcast_in_dim3A_6 = vector.broadcast %broadcast_in_dim3A : i32 to vector<16xi32>
    %swap3A = arith.constant 0 : index
    %swap3A_7 = tpu.vector_load %arg6[%swap3A] {strides = array<i32>} : memref<272xi32, #tpu.memory_space<vmem>>, vector<16xi32>,
    %swap3A_8 = vector.shape_cast %swap3A_7 : vector<16xi32> to vector<16xi32>
    %swap3A_9 = vector.shape_cast %broadcast_in_dim3A_6 : vector<16xi32> to vector<16xi32>
    tpu.vector_store %arg6[%swap3A], %swap3A_9 {strides = array<i32>} : memref<272xi32, #tpu.memory_space<vmem>>, vector<16xi32>,
    %broadcast_in_dim3A_10 = arith.constant 0 : i32
    %broadcast_in_dim3A_11 = vector.broadcast %broadcast_in_dim3A_10 : i32 to vector<16xi32>
    %swap3A_12 = arith.constant 16 : index
    %swap3A_13 = tpu.vector_load %arg6[%swap3A_12] {strides = array<i32>} : memref<272xi32, #tpu.memory_space<vmem>>, vector<16xi32>,
    %swap3A_14 = vector.shape_cast %swap3A_13 : vector<16xi32> to vector<16xi32>
    %swap3A_15 = vector.shape_cast %broadcast_in_dim3A_11 : vector<16xi32> to vector<16xi32>
    tpu.vector_store %arg6[%swap3A_12], %swap3A_15 {strides = array<i32>} : memref<272xi32, #tpu.memory_space<vmem>>, vector<16xi32>,
    %broadcast_in_dim3A_16 = arith.constant 0 : i32
    %broadcast_in_dim3A_17 = vector.broadcast %broadcast_in_dim3A_16 : i32 to vector<16xi32>
    %swap3A_18 = arith.constant 32 : index
    %swap3A_19 = tpu.vector_load %arg6[%swap3A_18] {strides = array<i32>} : memref<272xi32, #tpu.memory_space<vmem>>, vector<16xi32>,
    %swap3A_20 = vector.shape_cast %swap3A_19 : vector<16xi32> to vector<16xi32>
    %swap3A_21 = vector.shape_cast %broadcast_in_dim3A_17 : vector<16xi32> to vector<16xi32>
    tpu.vector_store %arg6[%swap3A_18], %swap3A_21 {strides = array<i32>} : memref<272xi32, #tpu.memory_space<vmem>>, vector<16xi32>,
    %broadcast_in_dim3A_22 = arith.constant 0 : i32
    %broadcast_in_dim3A_23 = vector.broadcast %broadcast_in_dim3A_22 : i32 to vector<16xi32>
    %swap3A_24 = arith.constant 48 : index
    %swap3A_25 = tpu.vector_load %arg6[%swap3A_24] {strides = array<i32>} : memref<272xi32, #tpu.memory_space<vmem>>, vector<16xi32>,
    %swap3A_26 = vector.shape_cast %swap3A_25 : vector<16xi32> to vector<16xi32>
    %swap3A_27 = vector.shape_cast %broadcast_in_dim3A_23 : vector<16xi32> to vector<16xi32>
    tpu.vector_store %arg6[%swap3A_24], %swap3A_27 {strides = array<i32>} : memref<272xi32, #tpu.memory_space<vmem>>, vector<16xi32>,
    %broadcast_in_dim3A_28 = arith.constant 0 : i32
    %broadcast_in_dim3A_29 = vector.broadcast %broadcast_in_dim3A_28 : i32 to vector<16xi32>
    %swap3A_30 = arith.constant 64 : index
    %swap3A_31 = tpu.vector_load %arg6[%swap3A_30] {strides = array<i32>} : memref<272xi32, #tpu.memory_space<vmem>>, vector<16xi32>,
    %swap3A_32 = vector.shape_cast %swap3A_31 : vector<16xi32> to vector<16xi32>
    %swap3A_33 = vector.shape_cast %broadcast_in_dim3A_29 : vector<16xi32> to vector<16xi32>
    tpu.vector_store %arg6[%swap3A_30], %swap3A_33 {strides = array<i32>} : memref<272xi32, #tpu.memory_space<vmem>>, vector<16xi32>,
    %broadcast_in_dim3A_34 = arith.constant 0 : i32
    %broadcast_in_dim3A_35 = vector.broadcast %broadcast_in_dim3A_34 : i32 to vector<16xi32>
    %swap3A_36 = arith.constant 80 : index
    %swap3A_37 = tpu.vector_load %arg6[%swap3A_36] {strides = array<i32>} : memref<272xi32, #tpu.memory_space<vmem>>, vector<16xi32>,
    %swap3A_38 = vector.shape_cast %swap3A_37 : vector<16xi32> to vector<16xi32>
    %swap3A_39 = vector.shape_cast %broadcast_in_dim3A_35 : vector<16xi32> to vector<16xi32>
    tpu.vector_store %arg6[%swap3A_36], %swap3A_39 {strides = array<i32>} : memref<272xi32, #tpu.memory_space<vmem>>, vector<16xi32>,
    %broadcast_in_dim3A_40 = arith.constant 0 : i32
    %broadcast_in_dim3A_41 = vector.broadcast %broadcast_in_dim3A_40 : i32 to vector<16xi32>
    %swap3A_42 = arith.constant 96 : index
    %swap3A_43 = tpu.vector_load %arg6[%swap3A_42] {strides = array<i32>} : memref<272xi32, #tpu.memory_space<vmem>>, vector<16xi32>,
    %swap3A_44 = vector.shape_cast %swap3A_43 : vector<16xi32> to vector<16xi32>
    %swap3A_45 = vector.shape_cast %broadcast_in_dim3A_41 : vector<16xi32> to vector<16xi32>
    tpu.vector_store %arg6[%swap3A_42], %swap3A_45 {strides = array<i32>} : memref<272xi32, #tpu.memory_space<vmem>>, vector<16xi32>,
    %broadcast_in_dim3A_46 = arith.constant 0 : i32
    %broadcast_in_dim3A_47 = vector.broadcast %broadcast_in_dim3A_46 : i32 to vector<16xi32>
    %swap3A_48 = arith.constant 112 : index
    %swap3A_49 = tpu.vector_load %arg6[%swap3A_48] {strides = array<i32>} : memref<272xi32, #tpu.memory_space<vmem>>, vector<16xi32>,
    %swap3A_50 = vector.shape_cast %swap3A_49 : vector<16xi32> to vector<16xi32>
    %swap3A_51 = vector.shape_cast %broadcast_in_dim3A_47 : vector<16xi32> to vector<16xi32>
    tpu.vector_store %arg6[%swap3A_48], %swap3A_51 {strides = array<i32>} : memref<272xi32, #tpu.memory_space<vmem>>, vector<16xi32>,
    %broadcast_in_dim3A_52 = arith.constant 0 : i32
    %broadcast_in_dim3A_53 = vector.broadcast %broadcast_in_dim3A_52 : i32 to vector<16xi32>
    %swap3A_54 = arith.constant 128 : index
    %swap3A_55 = tpu.vector_load %arg6[%swap3A_54] {strides = array<i32>} : memref<272xi32, #tpu.memory_space<vmem>>, vector<16xi32>,
    %swap3A_56 = vector.shape_cast %swap3A_55 : vector<16xi32> to vector<16xi32>
    %swap3A_57 = vector.shape_cast %broadcast_in_dim3A_53 : vector<16xi32> to vector<16xi32>
    tpu.vector_store %arg6[%swap3A_54], %swap3A_57 {strides = array<i32>} : memref<272xi32, #tpu.memory_space<vmem>>, vector<16xi32>,
    %broadcast_in_dim3A_58 = arith.constant 0 : i32
    %broadcast_in_dim3A_59 = vector.broadcast %broadcast_in_dim3A_58 : i32 to vector<16xi32>
    %swap3A_60 = arith.constant 144 : index
    %swap3A_61 = tpu.vector_load %arg6[%swap3A_60] {strides = array<i32>} : memref<272xi32, #tpu.memory_space<vmem>>, vector<16xi32>,
    %swap3A_62 = vector.shape_cast %swap3A_61 : vector<16xi32> to vector<16xi32>
    %swap3A_63 = vector.shape_cast %broadcast_in_dim3A_59 : vector<16xi32> to vector<16xi32>
    tpu.vector_store %arg6[%swap3A_60], %swap3A_63 {strides = array<i32>} : memref<272xi32, #tpu.memory_space<vmem>>, vector<16xi32>,
    %broadcast_in_dim3A_64 = arith.constant 0 : i32
    %broadcast_in_dim3A_65 = vector.broadcast %broadcast_in_dim3A_64 : i32 to vector<16xi32>
    %swap3A_66 = arith.constant 160 : index
    %swap3A_67 = tpu.vector_load %arg6[%swap3A_66] {strides = array<i32>} : memref<272xi32, #tpu.memory_space<vmem>>, vector<16xi32>,
    %swap3A_68 = vector.shape_cast %swap3A_67 : vector<16xi32> to vector<16xi32>
    %swap3A_69 = vector.shape_cast %broadcast_in_dim3A_65 : vector<16xi32> to vector<16xi32>
    tpu.vector_store %arg6[%swap3A_66], %swap3A_69 {strides = array<i32>} : memref<272xi32, #tpu.memory_space<vmem>>, vector<16xi32>,
    %broadcast_in_dim3A_70 = arith.constant 0 : i32
    %broadcast_in_dim3A_71 = vector.broadcast %broadcast_in_dim3A_70 : i32 to vector<16xi32>
    %swap3A_72 = arith.constant 176 : index
    %swap3A_73 = tpu.vector_load %arg6[%swap3A_72] {strides = array<i32>} : memref<272xi32, #tpu.memory_space<vmem>>, vector<16xi32>,
    %swap3A_74 = vector.shape_cast %swap3A_73 : vector<16xi32> to vector<16xi32>
    %swap3A_75 = vector.shape_cast %broadcast_in_dim3A_71 : vector<16xi32> to vector<16xi32>
    tpu.vector_store %arg6[%swap3A_72], %swap3A_75 {strides = array<i32>} : memref<272xi32, #tpu.memory_space<vmem>>, vector<16xi32>,
    %broadcast_in_dim3A_76 = arith.constant 0 : i32
    %broadcast_in_dim3A_77 = vector.broadcast %broadcast_in_dim3A_76 : i32 to vector<16xi32>
    %swap3A_78 = arith.constant 192 : index
    %swap3A_79 = tpu.vector_load %arg6[%swap3A_78] {strides = array<i32>} : memref<272xi32, #tpu.memory_space<vmem>>, vector<16xi32>,
    %swap3A_80 = vector.shape_cast %swap3A_79 : vector<16xi32> to vector<16xi32>
    %swap3A_81 = vector.shape_cast %broadcast_in_dim3A_77 : vector<16xi32> to vector<16xi32>
    tpu.vector_store %arg6[%swap3A_78], %swap3A_81 {strides = array<i32>} : memref<272xi32, #tpu.memory_space<vmem>>, vector<16xi32>,
    %broadcast_in_dim3A_82 = arith.constant 0 : i32
    %broadcast_in_dim3A_83 = vector.broadcast %broadcast_in_dim3A_82 : i32 to vector<16xi32>
    %swap3A_84 = arith.constant 208 : index
    %swap3A_85 = tpu.vector_load %arg6[%swap3A_84] {strides = array<i32>} : memref<272xi32, #tpu.memory_space<vmem>>, vector<16xi32>,
    %swap3A_86 = vector.shape_cast %swap3A_85 : vector<16xi32> to vector<16xi32>
    %swap3A_87 = vector.shape_cast %broadcast_in_dim3A_83 : vector<16xi32> to vector<16xi32>
    tpu.vector_store %arg6[%swap3A_84], %swap3A_87 {strides = array<i32>} : memref<272xi32, #tpu.memory_space<vmem>>, vector<16xi32>,
    %broadcast_in_dim3A_88 = arith.constant 0 : i32
    %broadcast_in_dim3A_89 = vector.broadcast %broadcast_in_dim3A_88 : i32 to vector<16xi32>
    %swap3A_90 = arith.constant 224 : index
    %swap3A_91 = tpu.vector_load %arg6[%swap3A_90] {strides = array<i32>} : memref<272xi32, #tpu.memory_space<vmem>>, vector<16xi32>,
    %swap3A_92 = vector.shape_cast %swap3A_91 : vector<16xi32> to vector<16xi32>
    %swap3A_93 = vector.shape_cast %broadcast_in_dim3A_89 : vector<16xi32> to vector<16xi32>
    tpu.vector_store %arg6[%swap3A_90], %swap3A_93 {strides = array<i32>} : memref<272xi32, #tpu.memory_space<vmem>>, vector<16xi32>,
    %broadcast_in_dim3A_94 = arith.constant 0 : i32
    %broadcast_in_dim3A_95 = vector.broadcast %broadcast_in_dim3A_94 : i32 to vector<16xi32>
    %swap3A_96 = arith.constant 240 : index
    %swap3A_97 = tpu.vector_load %arg6[%swap3A_96] {strides = array<i32>} : memref<272xi32, #tpu.memory_space<vmem>>, vector<16xi32>,
    %swap3A_98 = vector.shape_cast %swap3A_97 : vector<16xi32> to vector<16xi32>
    %swap3A_99 = vector.shape_cast %broadcast_in_dim3A_95 : vector<16xi32> to vector<16xi32>
    tpu.vector_store %arg6[%swap3A_96], %swap3A_99 {strides = array<i32>} : memref<272xi32, #tpu.memory_space<vmem>>, vector<16xi32>,
    %broadcast_in_dim3A_100 = arith.constant 0 : i32
    %broadcast_in_dim3A_101 = vector.broadcast %broadcast_in_dim3A_100 : i32 to vector<16xi32>
    %swap3A_102 = arith.constant 256 : index
    %swap3A_103 = tpu.vector_load %arg6[%swap3A_102] {strides = array<i32>} : memref<272xi32, #tpu.memory_space<vmem>>, vector<16xi32>,
    %swap3A_104 = vector.shape_cast %swap3A_103 : vector<16xi32> to vector<16xi32>
    %swap3A_105 = vector.shape_cast %broadcast_in_dim3A_101 : vector<16xi32> to vector<16xi32>
    tpu.vector_store %arg6[%swap3A_102], %swap3A_105 {strides = array<i32>} : memref<272xi32, #tpu.memory_space<vmem>>, vector<16xi32>,
    %dma_wait3A = arith.constant 0 : i32
    %dma_wait3A_106 = tpu.memref_slice %arg3[%mul3A_2, %dma_wait3A] : memref<128x256xf32, #tpu.memory_space<hbm>> -> memref<4x256xf32, #tpu.memory_space<hbm>>
    %dma_wait3A_107 = arith.constant 0 : i32
    %dma_wait3A_108 = tpu.memref_slice %arg3[%mul3A_2, %dma_wait3A_107] : memref<128x256xf32, #tpu.memory_space<hbm>> -> memref<4x256xf32, #tpu.memory_space<hbm>>
    tpu.wait_dma2 semaphore(%arg9 : memref<!tpu.dma_semaphore, #tpu.memory_space<semaphore_mem>>) src(%dma_wait3A_108 : memref<4x256xf32, #tpu.memory_space<hbm>>) dst(%arg5 : memref<4x256xf32, #tpu.memory_space<vmem>>)
    %broadcast_in_dim3A_109 = arith.constant 0.000000e+00 : f32
    %broadcast_in_dim3A_110 = vector.broadcast %broadcast_in_dim3A_109 : f32 to vector<16xf32>
    %scan3A = arith.constant 0 : i32
    %scan3A_111 = arith.constant 4 : i32
    %scan3A_112 = arith.addi %scan3A, %scan3A_111 : i32
    %scan3A_113 = arith.constant 1 : i32
    %scan3A_114 = scf.for %scan3A_120 = %scan3A to %scan3A_112 step %scan3A_113 iter_args(%scan3A_121 = %broadcast_in_dim3A_110) -> (vector<16xf32>)  : i32 {
      %mul3A_122 = arith.constant 4 : i32
      %mul3A_123 = arith.muli %add3A, %mul3A_122 : i32
      %add3A_124 = arith.addi %mul3A_123, %scan3A_120 : i32
      %broadcast_in_dim3A_125 = arith.constant -3.400000e+38 : f32
      %broadcast_in_dim3A_126 = vector.broadcast %broadcast_in_dim3A_125 : f32 to vector<16xf32>
      %scan3A_127 = arith.constant 0 : i32
      %scan3A_128 = arith.constant 16 : i32
      %scan3A_129 = arith.addi %scan3A_127, %scan3A_128 : i32
      %scan3A_130 = arith.constant 1 : i32
      %scan3A_131 = scf.for %scan3A_231 = %scan3A_127 to %scan3A_129 step %scan3A_130 iter_args(%scan3A_232 = %broadcast_in_dim3A_126) -> (vector<16xf32>)  : i32 {
        %mul3A_233 = arith.constant 16 : i32
        %mul3A_234 = arith.muli %scan3A_231, %mul3A_233 : i32
        %get3A = arith.index_cast %scan3A_120 : i32 to index
        %get3A_235 = arith.index_cast %mul3A_234 : i32 to index
        %get3A_236 = tpu.vector_load %arg5[%get3A, %get3A_235] {strides = array<i32>} : memref<4x256xf32, #tpu.memory_space<vmem>>, vector<1x16xf32>,
        %get3A_237 = vector.shape_cast %get3A_236 : vector<1x16xf32> to vector<16xf32>
        %max3A_238 = arith.maximumf %scan3A_232, %get3A_237 : vector<16xf32>
        scf.yield %max3A_238 : vector<16xf32>
      }
      %scan3A_132 = arith.constant 16 : i32
      %slice3A = vector.extract_strided_slice %scan3A_131 {offsets = [0], sizes = [1], strides = [1]} : vector<16xf32> to vector<1xf32>
      %squeeze3A = vector.extract %slice3A[0] : f32 from vector<1xf32>
      %slice3A_133 = vector.extract_strided_slice %scan3A_131 {offsets = [1], sizes = [1], strides = [1]} : vector<16xf32> to vector<1xf32>
      %squeeze3A_134 = vector.extract %slice3A_133[0] : f32 from vector<1xf32>
      %max3A = arith.maximumf %squeeze3A, %squeeze3A_134 : f32
      %slice3A_135 = vector.extract_strided_slice %scan3A_131 {offsets = [2], sizes = [1], strides = [1]} : vector<16xf32> to vector<1xf32>
      %squeeze3A_136 = vector.extract %slice3A_135[0] : f32 from vector<1xf32>
      %max3A_137 = arith.maximumf %max3A, %squeeze3A_136 : f32
      %slice3A_138 = vector.extract_strided_slice %scan3A_131 {offsets = [3], sizes = [1], strides = [1]} : vector<16xf32> to vector<1xf32>
      %squeeze3A_139 = vector.extract %slice3A_138[0] : f32 from vector<1xf32>
      %max3A_140 = arith.maximumf %max3A_137, %squeeze3A_139 : f32
      %slice3A_141 = vector.extract_strided_slice %scan3A_131 {offsets = [4], sizes = [1], strides = [1]} : vector<16xf32> to vector<1xf32>
      %squeeze3A_142 = vector.extract %slice3A_141[0] : f32 from vector<1xf32>
      %max3A_143 = arith.maximumf %max3A_140, %squeeze3A_142 : f32
      %slice3A_144 = vector.extract_strided_slice %scan3A_131 {offsets = [5], sizes = [1], strides = [1]} : vector<16xf32> to vector<1xf32>
      %squeeze3A_145 = vector.extract %slice3A_144[0] : f32 from vector<1xf32>
      %max3A_146 = arith.maximumf %max3A_143, %squeeze3A_145 : f32
      %slice3A_147 = vector.extract_strided_slice %scan3A_131 {offsets = [6], sizes = [1], strides = [1]} : vector<16xf32> to vector<1xf32>
      %squeeze3A_148 = vector.extract %slice3A_147[0] : f32 from vector<1xf32>
      %max3A_149 = arith.maximumf %max3A_146, %squeeze3A_148 : f32
      %slice3A_150 = vector.extract_strided_slice %scan3A_131 {offsets = [7], sizes = [1], strides = [1]} : vector<16xf32> to vector<1xf32>
      %squeeze3A_151 = vector.extract %slice3A_150[0] : f32 from vector<1xf32>
      %max3A_152 = arith.maximumf %max3A_149, %squeeze3A_151 : f32
      %slice3A_153 = vector.extract_strided_slice %scan3A_131 {offsets = [8], sizes = [1], strides = [1]} : vector<16xf32> to vector<1xf32>
      %squeeze3A_154 = vector.extract %slice3A_153[0] : f32 from vector<1xf32>
      %max3A_155 = arith.maximumf %max3A_152, %squeeze3A_154 : f32
      %slice3A_156 = vector.extract_strided_slice %scan3A_131 {offsets = [9], sizes = [1], strides = [1]} : vector<16xf32> to vector<1xf32>
      %squeeze3A_157 = vector.extract %slice3A_156[0] : f32 from vector<1xf32>
      %max3A_158 = arith.maximumf %max3A_155, %squeeze3A_157 : f32
      %slice3A_159 = vector.extract_strided_slice %scan3A_131 {offsets = [10], sizes = [1], strides = [1]} : vector<16xf32> to vector<1xf32>
      %squeeze3A_160 = vector.extract %slice3A_159[0] : f32 from vector<1xf32>
      %max3A_161 = arith.maximumf %max3A_158, %squeeze3A_160 : f32
      %slice3A_162 = vector.extract_strided_slice %scan3A_131 {offsets = [11], sizes = [1], strides = [1]} : vector<16xf32> to vector<1xf32>
      %squeeze3A_163 = vector.extract %slice3A_162[0] : f32 from vector<1xf32>
      %max3A_164 = arith.maximumf %max3A_161, %squeeze3A_163 : f32
      %slice3A_165 = vector.extract_strided_slice %scan3A_131 {offsets = [12], sizes = [1], strides = [1]} : vector<16xf32> to vector<1xf32>
      %squeeze3A_166 = vector.extract %slice3A_165[0] : f32 from vector<1xf32>
      %max3A_167 = arith.maximumf %max3A_164, %squeeze3A_166 : f32
      %slice3A_168 = vector.extract_strided_slice %scan3A_131 {offsets = [13], sizes = [1], strides = [1]} : vector<16xf32> to vector<1xf32>
      %squeeze3A_169 = vector.extract %slice3A_168[0] : f32 from vector<1xf32>
      %max3A_170 = arith.maximumf %max3A_167, %squeeze3A_169 : f32
      %slice3A_171 = vector.extract_strided_slice %scan3A_131 {offsets = [14], sizes = [1], strides = [1]} : vector<16xf32> to vector<1xf32>
      %squeeze3A_172 = vector.extract %slice3A_171[0] : f32 from vector<1xf32>
      %max3A_173 = arith.maximumf %max3A_170, %squeeze3A_172 : f32
      %slice3A_174 = vector.extract_strided_slice %scan3A_131 {offsets = [15], sizes = [1], strides = [1]} : vector<16xf32> to vector<1xf32>
      %squeeze3A_175 = vector.extract %slice3A_174[0] : f32 from vector<1xf32>
      %max3A_176 = arith.maximumf %max3A_173, %squeeze3A_175 : f32
      %sub3A = arith.constant 1.000000e+00 : f32
      %sub3A_177 = arith.subf %max3A_176, %sub3A : f32
      %scan3A_178 = arith.constant 0 : i32
      %scan3A_179 = arith.constant 0 : i32
      %scan3A_180 = arith.constant 16 : i32
      %scan3A_181 = arith.addi %scan3A_179, %scan3A_180 : i32
      %scan3A_182 = arith.constant 1 : i32
      %scan3A_183 = scf.for %scan3A_231 = %scan3A_179 to %scan3A_181 step %scan3A_182 iter_args(%scan3A_232 = %scan3A_178) -> (i32)  : i32 {
        %mul3A_233 = arith.constant 16 : i32
        %mul3A_234 = arith.muli %scan3A_231, %mul3A_233 : i32
        %get3A = arith.index_cast %scan3A_120 : i32 to index
        %get3A_235 = arith.index_cast %mul3A_234 : i32 to index
        %get3A_236 = tpu.vector_load %arg5[%get3A, %get3A_235] {strides = array<i32>} : memref<4x256xf32, #tpu.memory_space<vmem>>, vector<1x16xf32>,
        %get3A_237 = vector.shape_cast %get3A_236 : vector<1x16xf32> to vector<16xf32>
        %mul3A_238 = arith.constant 256 : i32
        %mul3A_239 = arith.muli %add3A_124, %mul3A_238 : i32
        %mul3A_240 = arith.constant 16 : i32
        %mul3A_241 = arith.muli %scan3A_231, %mul3A_240 : i32
        %add3A_242 = arith.addi %mul3A_239, %mul3A_241 : i32
        %slice3A_243 = vector.extract_strided_slice %get3A_237 {offsets = [0], sizes = [1], strides = [1]} : vector<16xf32> to vector<1xf32>
        %squeeze3A_244 = vector.extract %slice3A_243[0] : f32 from vector<1xf32>
        %gt3A_245 = arith.cmpf ogt, %squeeze3A_244, %sub3A_177 : f32
        %lt3A = arith.constant 256 : i32
        %lt3A_246 = arith.cmpi slt, %scan3A_232, %lt3A : i32
        %and3A = arith.andi %gt3A_245, %lt3A_246 : i1
        %convert_element_type3A_247 = arith.extui %and3A : i1 to i32
        %cond3A_248 = arith.constant 0 : i32
        %cond3A_249 = arith.cmpi ne, %convert_element_type3A_247, %cond3A_248 : i32
        scf.if %cond3A_249 {
          %add3A_433 = arith.constant 0 : i32
          %add3A_434 = arith.addi %add3A_242, %add3A_433 : i32
          %broadcast_in_dim3A_435 = vector.broadcast %add3A_434 : i32 to vector<16xi32>
          %swap3A_436 = arith.index_cast %scan3A_232 : i32 to index
          %swap3A_437 = tpu.vector_load %arg6[%swap3A_436] {strides = array<i32>} : memref<272xi32, #tpu.memory_space<vmem>>, vector<16xi32>,
          %swap3A_438 = vector.shape_cast %swap3A_437 : vector<16xi32> to vector<16xi32>
          %swap3A_439 = vector.shape_cast %broadcast_in_dim3A_435 : vector<16xi32> to vector<16xi32>
          tpu.vector_store %arg6[%swap3A_436], %swap3A_439 {strides = array<i32>} : memref<272xi32, #tpu.memory_space<vmem>>, vector<16xi32>,
        } else {
        }
        %add3A_250 = arith.constant 1 : i32
        %add3A_251 = arith.addi %scan3A_232, %add3A_250 : i32
        %select_n3A_252 = arith.select %gt3A_245, %add3A_251, %scan3A_232 : i32
        %slice3A_253 = vector.extract_strided_slice %get3A_237 {offsets = [1], sizes = [1], strides = [1]} : vector<16xf32> to vector<1xf32>
        %squeeze3A_254 = vector.extract %slice3A_253[0] : f32 from vector<1xf32>
        %gt3A_255 = arith.cmpf ogt, %squeeze3A_254, %sub3A_177 : f32
        %lt3A_256 = arith.constant 256 : i32
        %lt3A_257 = arith.cmpi slt, %select_n3A_252, %lt3A_256 : i32
        %and3A_258 = arith.andi %gt3A_255, %lt3A_257 : i1
        %convert_element_type3A_259 = arith.extui %and3A_258 : i1 to i32
        %cond3A_260 = arith.constant 0 : i32
        %cond3A_261 = arith.cmpi ne, %convert_element_type3A_259, %cond3A_260 : i32
        scf.if %cond3A_261 {
          %add3A_433 = arith.constant 1 : i32
          %add3A_434 = arith.addi %add3A_242, %add3A_433 : i32
          %broadcast_in_dim3A_435 = vector.broadcast %add3A_434 : i32 to vector<16xi32>
          %swap3A_436 = arith.index_cast %select_n3A_252 : i32 to index
          %swap3A_437 = tpu.vector_load %arg6[%swap3A_436] {strides = array<i32>} : memref<272xi32, #tpu.memory_space<vmem>>, vector<16xi32>,
          %swap3A_438 = vector.shape_cast %swap3A_437 : vector<16xi32> to vector<16xi32>
          %swap3A_439 = vector.shape_cast %broadcast_in_dim3A_435 : vector<16xi32> to vector<16xi32>
          tpu.vector_store %arg6[%swap3A_436], %swap3A_439 {strides = array<i32>} : memref<272xi32, #tpu.memory_space<vmem>>, vector<16xi32>,
        } else {
        }
        %add3A_262 = arith.constant 1 : i32
        %add3A_263 = arith.addi %select_n3A_252, %add3A_262 : i32
        %select_n3A_264 = arith.select %gt3A_255, %add3A_263, %select_n3A_252 : i32
        %slice3A_265 = vector.extract_strided_slice %get3A_237 {offsets = [2], sizes = [1], strides = [1]} : vector<16xf32> to vector<1xf32>
        %squeeze3A_266 = vector.extract %slice3A_265[0] : f32 from vector<1xf32>
        %gt3A_267 = arith.cmpf ogt, %squeeze3A_266, %sub3A_177 : f32
        %lt3A_268 = arith.constant 256 : i32
        %lt3A_269 = arith.cmpi slt, %select_n3A_264, %lt3A_268 : i32
        %and3A_270 = arith.andi %gt3A_267, %lt3A_269 : i1
        %convert_element_type3A_271 = arith.extui %and3A_270 : i1 to i32
        %cond3A_272 = arith.constant 0 : i32
        %cond3A_273 = arith.cmpi ne, %convert_element_type3A_271, %cond3A_272 : i32
        scf.if %cond3A_273 {
          %add3A_433 = arith.constant 2 : i32
          %add3A_434 = arith.addi %add3A_242, %add3A_433 : i32
          %broadcast_in_dim3A_435 = vector.broadcast %add3A_434 : i32 to vector<16xi32>
          %swap3A_436 = arith.index_cast %select_n3A_264 : i32 to index
          %swap3A_437 = tpu.vector_load %arg6[%swap3A_436] {strides = array<i32>} : memref<272xi32, #tpu.memory_space<vmem>>, vector<16xi32>,
          %swap3A_438 = vector.shape_cast %swap3A_437 : vector<16xi32> to vector<16xi32>
          %swap3A_439 = vector.shape_cast %broadcast_in_dim3A_435 : vector<16xi32> to vector<16xi32>
          tpu.vector_store %arg6[%swap3A_436], %swap3A_439 {strides = array<i32>} : memref<272xi32, #tpu.memory_space<vmem>>, vector<16xi32>,
        } else {
        }
        %add3A_274 = arith.constant 1 : i32
        %add3A_275 = arith.addi %select_n3A_264, %add3A_274 : i32
        %select_n3A_276 = arith.select %gt3A_267, %add3A_275, %select_n3A_264 : i32
        %slice3A_277 = vector.extract_strided_slice %get3A_237 {offsets = [3], sizes = [1], strides = [1]} : vector<16xf32> to vector<1xf32>
        %squeeze3A_278 = vector.extract %slice3A_277[0] : f32 from vector<1xf32>
        %gt3A_279 = arith.cmpf ogt, %squeeze3A_278, %sub3A_177 : f32
        %lt3A_280 = arith.constant 256 : i32
        %lt3A_281 = arith.cmpi slt, %select_n3A_276, %lt3A_280 : i32
        %and3A_282 = arith.andi %gt3A_279, %lt3A_281 : i1
        %convert_element_type3A_283 = arith.extui %and3A_282 : i1 to i32
        %cond3A_284 = arith.constant 0 : i32
        %cond3A_285 = arith.cmpi ne, %convert_element_type3A_283, %cond3A_284 : i32
        scf.if %cond3A_285 {
          %add3A_433 = arith.constant 3 : i32
          %add3A_434 = arith.addi %add3A_242, %add3A_433 : i32
          %broadcast_in_dim3A_435 = vector.broadcast %add3A_434 : i32 to vector<16xi32>
          %swap3A_436 = arith.index_cast %select_n3A_276 : i32 to index
          %swap3A_437 = tpu.vector_load %arg6[%swap3A_436] {strides = array<i32>} : memref<272xi32, #tpu.memory_space<vmem>>, vector<16xi32>,
          %swap3A_438 = vector.shape_cast %swap3A_437 : vector<16xi32> to vector<16xi32>
          %swap3A_439 = vector.shape_cast %broadcast_in_dim3A_435 : vector<16xi32> to vector<16xi32>
          tpu.vector_store %arg6[%swap3A_436], %swap3A_439 {strides = array<i32>} : memref<272xi32, #tpu.memory_space<vmem>>, vector<16xi32>,
        } else {
        }
        %add3A_286 = arith.constant 1 : i32
        %add3A_287 = arith.addi %select_n3A_276, %add3A_286 : i32
        %select_n3A_288 = arith.select %gt3A_279, %add3A_287, %select_n3A_276 : i32
        %slice3A_289 = vector.extract_strided_slice %get3A_237 {offsets = [4], sizes = [1], strides = [1]} : vector<16xf32> to vector<1xf32>
        %squeeze3A_290 = vector.extract %slice3A_289[0] : f32 from vector<1xf32>
        %gt3A_291 = arith.cmpf ogt, %squeeze3A_290, %sub3A_177 : f32
        %lt3A_292 = arith.constant 256 : i32
        %lt3A_293 = arith.cmpi slt, %select_n3A_288, %lt3A_292 : i32
        %and3A_294 = arith.andi %gt3A_291, %lt3A_293 : i1
        %convert_element_type3A_295 = arith.extui %and3A_294 : i1 to i32
        %cond3A_296 = arith.constant 0 : i32
        %cond3A_297 = arith.cmpi ne, %convert_element_type3A_295, %cond3A_296 : i32
        scf.if %cond3A_297 {
          %add3A_433 = arith.constant 4 : i32
          %add3A_434 = arith.addi %add3A_242, %add3A_433 : i32
          %broadcast_in_dim3A_435 = vector.broadcast %add3A_434 : i32 to vector<16xi32>
          %swap3A_436 = arith.index_cast %select_n3A_288 : i32 to index
          %swap3A_437 = tpu.vector_load %arg6[%swap3A_436] {strides = array<i32>} : memref<272xi32, #tpu.memory_space<vmem>>, vector<16xi32>,
          %swap3A_438 = vector.shape_cast %swap3A_437 : vector<16xi32> to vector<16xi32>
          %swap3A_439 = vector.shape_cast %broadcast_in_dim3A_435 : vector<16xi32> to vector<16xi32>
          tpu.vector_store %arg6[%swap3A_436], %swap3A_439 {strides = array<i32>} : memref<272xi32, #tpu.memory_space<vmem>>, vector<16xi32>,
        } else {
        }
        %add3A_298 = arith.constant 1 : i32
        %add3A_299 = arith.addi %select_n3A_288, %add3A_298 : i32
        %select_n3A_300 = arith.select %gt3A_291, %add3A_299, %select_n3A_288 : i32
        %slice3A_301 = vector.extract_strided_slice %get3A_237 {offsets = [5], sizes = [1], strides = [1]} : vector<16xf32> to vector<1xf32>
        %squeeze3A_302 = vector.extract %slice3A_301[0] : f32 from vector<1xf32>
        %gt3A_303 = arith.cmpf ogt, %squeeze3A_302, %sub3A_177 : f32
        %lt3A_304 = arith.constant 256 : i32
        %lt3A_305 = arith.cmpi slt, %select_n3A_300, %lt3A_304 : i32
        %and3A_306 = arith.andi %gt3A_303, %lt3A_305 : i1
        %convert_element_type3A_307 = arith.extui %and3A_306 : i1 to i32
        %cond3A_308 = arith.constant 0 : i32
        %cond3A_309 = arith.cmpi ne, %convert_element_type3A_307, %cond3A_308 : i32
        scf.if %cond3A_309 {
          %add3A_433 = arith.constant 5 : i32
          %add3A_434 = arith.addi %add3A_242, %add3A_433 : i32
          %broadcast_in_dim3A_435 = vector.broadcast %add3A_434 : i32 to vector<16xi32>
          %swap3A_436 = arith.index_cast %select_n3A_300 : i32 to index
          %swap3A_437 = tpu.vector_load %arg6[%swap3A_436] {strides = array<i32>} : memref<272xi32, #tpu.memory_space<vmem>>, vector<16xi32>,
          %swap3A_438 = vector.shape_cast %swap3A_437 : vector<16xi32> to vector<16xi32>
          %swap3A_439 = vector.shape_cast %broadcast_in_dim3A_435 : vector<16xi32> to vector<16xi32>
          tpu.vector_store %arg6[%swap3A_436], %swap3A_439 {strides = array<i32>} : memref<272xi32, #tpu.memory_space<vmem>>, vector<16xi32>,
        } else {
        }
        %add3A_310 = arith.constant 1 : i32
        %add3A_311 = arith.addi %select_n3A_300, %add3A_310 : i32
        %select_n3A_312 = arith.select %gt3A_303, %add3A_311, %select_n3A_300 : i32
        %slice3A_313 = vector.extract_strided_slice %get3A_237 {offsets = [6], sizes = [1], strides = [1]} : vector<16xf32> to vector<1xf32>
        %squeeze3A_314 = vector.extract %slice3A_313[0] : f32 from vector<1xf32>
        %gt3A_315 = arith.cmpf ogt, %squeeze3A_314, %sub3A_177 : f32
        %lt3A_316 = arith.constant 256 : i32
        %lt3A_317 = arith.cmpi slt, %select_n3A_312, %lt3A_316 : i32
        %and3A_318 = arith.andi %gt3A_315, %lt3A_317 : i1
        %convert_element_type3A_319 = arith.extui %and3A_318 : i1 to i32
        %cond3A_320 = arith.constant 0 : i32
        %cond3A_321 = arith.cmpi ne, %convert_element_type3A_319, %cond3A_320 : i32
        scf.if %cond3A_321 {
          %add3A_433 = arith.constant 6 : i32
          %add3A_434 = arith.addi %add3A_242, %add3A_433 : i32
          %broadcast_in_dim3A_435 = vector.broadcast %add3A_434 : i32 to vector<16xi32>
          %swap3A_436 = arith.index_cast %select_n3A_312 : i32 to index
          %swap3A_437 = tpu.vector_load %arg6[%swap3A_436] {strides = array<i32>} : memref<272xi32, #tpu.memory_space<vmem>>, vector<16xi32>,
          %swap3A_438 = vector.shape_cast %swap3A_437 : vector<16xi32> to vector<16xi32>
          %swap3A_439 = vector.shape_cast %broadcast_in_dim3A_435 : vector<16xi32> to vector<16xi32>
          tpu.vector_store %arg6[%swap3A_436], %swap3A_439 {strides = array<i32>} : memref<272xi32, #tpu.memory_space<vmem>>, vector<16xi32>,
        } else {
        }
        %add3A_322 = arith.constant 1 : i32
        %add3A_323 = arith.addi %select_n3A_312, %add3A_322 : i32
        %select_n3A_324 = arith.select %gt3A_315, %add3A_323, %select_n3A_312 : i32
        %slice3A_325 = vector.extract_strided_slice %get3A_237 {offsets = [7], sizes = [1], strides = [1]} : vector<16xf32> to vector<1xf32>
        %squeeze3A_326 = vector.extract %slice3A_325[0] : f32 from vector<1xf32>
        %gt3A_327 = arith.cmpf ogt, %squeeze3A_326, %sub3A_177 : f32
        %lt3A_328 = arith.constant 256 : i32
        %lt3A_329 = arith.cmpi slt, %select_n3A_324, %lt3A_328 : i32
        %and3A_330 = arith.andi %gt3A_327, %lt3A_329 : i1
        %convert_element_type3A_331 = arith.extui %and3A_330 : i1 to i32
        %cond3A_332 = arith.constant 0 : i32
        %cond3A_333 = arith.cmpi ne, %convert_element_type3A_331, %cond3A_332 : i32
        scf.if %cond3A_333 {
          %add3A_433 = arith.constant 7 : i32
          %add3A_434 = arith.addi %add3A_242, %add3A_433 : i32
          %broadcast_in_dim3A_435 = vector.broadcast %add3A_434 : i32 to vector<16xi32>
          %swap3A_436 = arith.index_cast %select_n3A_324 : i32 to index
          %swap3A_437 = tpu.vector_load %arg6[%swap3A_436] {strides = array<i32>} : memref<272xi32, #tpu.memory_space<vmem>>, vector<16xi32>,
          %swap3A_438 = vector.shape_cast %swap3A_437 : vector<16xi32> to vector<16xi32>
          %swap3A_439 = vector.shape_cast %broadcast_in_dim3A_435 : vector<16xi32> to vector<16xi32>
          tpu.vector_store %arg6[%swap3A_436], %swap3A_439 {strides = array<i32>} : memref<272xi32, #tpu.memory_space<vmem>>, vector<16xi32>,
        } else {
        }
        %add3A_334 = arith.constant 1 : i32
        %add3A_335 = arith.addi %select_n3A_324, %add3A_334 : i32
        %select_n3A_336 = arith.select %gt3A_327, %add3A_335, %select_n3A_324 : i32
        %slice3A_337 = vector.extract_strided_slice %get3A_237 {offsets = [8], sizes = [1], strides = [1]} : vector<16xf32> to vector<1xf32>
        %squeeze3A_338 = vector.extract %slice3A_337[0] : f32 from vector<1xf32>
        %gt3A_339 = arith.cmpf ogt, %squeeze3A_338, %sub3A_177 : f32
        %lt3A_340 = arith.constant 256 : i32
        %lt3A_341 = arith.cmpi slt, %select_n3A_336, %lt3A_340 : i32
        %and3A_342 = arith.andi %gt3A_339, %lt3A_341 : i1
        %convert_element_type3A_343 = arith.extui %and3A_342 : i1 to i32
        %cond3A_344 = arith.constant 0 : i32
        %cond3A_345 = arith.cmpi ne, %convert_element_type3A_343, %cond3A_344 : i32
        scf.if %cond3A_345 {
          %add3A_433 = arith.constant 8 : i32
          %add3A_434 = arith.addi %add3A_242, %add3A_433 : i32
          %broadcast_in_dim3A_435 = vector.broadcast %add3A_434 : i32 to vector<16xi32>
          %swap3A_436 = arith.index_cast %select_n3A_336 : i32 to index
          %swap3A_437 = tpu.vector_load %arg6[%swap3A_436] {strides = array<i32>} : memref<272xi32, #tpu.memory_space<vmem>>, vector<16xi32>,
          %swap3A_438 = vector.shape_cast %swap3A_437 : vector<16xi32> to vector<16xi32>
          %swap3A_439 = vector.shape_cast %broadcast_in_dim3A_435 : vector<16xi32> to vector<16xi32>
          tpu.vector_store %arg6[%swap3A_436], %swap3A_439 {strides = array<i32>} : memref<272xi32, #tpu.memory_space<vmem>>, vector<16xi32>,
        } else {
        }
        %add3A_346 = arith.constant 1 : i32
        %add3A_347 = arith.addi %select_n3A_336, %add3A_346 : i32
        %select_n3A_348 = arith.select %gt3A_339, %add3A_347, %select_n3A_336 : i32
        %slice3A_349 = vector.extract_strided_slice %get3A_237 {offsets = [9], sizes = [1], strides = [1]} : vector<16xf32> to vector<1xf32>
        %squeeze3A_350 = vector.extract %slice3A_349[0] : f32 from vector<1xf32>
        %gt3A_351 = arith.cmpf ogt, %squeeze3A_350, %sub3A_177 : f32
        %lt3A_352 = arith.constant 256 : i32
        %lt3A_353 = arith.cmpi slt, %select_n3A_348, %lt3A_352 : i32
        %and3A_354 = arith.andi %gt3A_351, %lt3A_353 : i1
        %convert_element_type3A_355 = arith.extui %and3A_354 : i1 to i32
        %cond3A_356 = arith.constant 0 : i32
        %cond3A_357 = arith.cmpi ne, %convert_element_type3A_355, %cond3A_356 : i32
        scf.if %cond3A_357 {
          %add3A_433 = arith.constant 9 : i32
          %add3A_434 = arith.addi %add3A_242, %add3A_433 : i32
          %broadcast_in_dim3A_435 = vector.broadcast %add3A_434 : i32 to vector<16xi32>
          %swap3A_436 = arith.index_cast %select_n3A_348 : i32 to index
          %swap3A_437 = tpu.vector_load %arg6[%swap3A_436] {strides = array<i32>} : memref<272xi32, #tpu.memory_space<vmem>>, vector<16xi32>,
          %swap3A_438 = vector.shape_cast %swap3A_437 : vector<16xi32> to vector<16xi32>
          %swap3A_439 = vector.shape_cast %broadcast_in_dim3A_435 : vector<16xi32> to vector<16xi32>
          tpu.vector_store %arg6[%swap3A_436], %swap3A_439 {strides = array<i32>} : memref<272xi32, #tpu.memory_space<vmem>>, vector<16xi32>,
        } else {
        }
        %add3A_358 = arith.constant 1 : i32
        %add3A_359 = arith.addi %select_n3A_348, %add3A_358 : i32
        %select_n3A_360 = arith.select %gt3A_351, %add3A_359, %select_n3A_348 : i32
        %slice3A_361 = vector.extract_strided_slice %get3A_237 {offsets = [10], sizes = [1], strides = [1]} : vector<16xf32> to vector<1xf32>
        %squeeze3A_362 = vector.extract %slice3A_361[0] : f32 from vector<1xf32>
        %gt3A_363 = arith.cmpf ogt, %squeeze3A_362, %sub3A_177 : f32
        %lt3A_364 = arith.constant 256 : i32
        %lt3A_365 = arith.cmpi slt, %select_n3A_360, %lt3A_364 : i32
        %and3A_366 = arith.andi %gt3A_363, %lt3A_365 : i1
        %convert_element_type3A_367 = arith.extui %and3A_366 : i1 to i32
        %cond3A_368 = arith.constant 0 : i32
        %cond3A_369 = arith.cmpi ne, %convert_element_type3A_367, %cond3A_368 : i32
        scf.if %cond3A_369 {
          %add3A_433 = arith.constant 10 : i32
          %add3A_434 = arith.addi %add3A_242, %add3A_433 : i32
          %broadcast_in_dim3A_435 = vector.broadcast %add3A_434 : i32 to vector<16xi32>
          %swap3A_436 = arith.index_cast %select_n3A_360 : i32 to index
          %swap3A_437 = tpu.vector_load %arg6[%swap3A_436] {strides = array<i32>} : memref<272xi32, #tpu.memory_space<vmem>>, vector<16xi32>,
          %swap3A_438 = vector.shape_cast %swap3A_437 : vector<16xi32> to vector<16xi32>
          %swap3A_439 = vector.shape_cast %broadcast_in_dim3A_435 : vector<16xi32> to vector<16xi32>
          tpu.vector_store %arg6[%swap3A_436], %swap3A_439 {strides = array<i32>} : memref<272xi32, #tpu.memory_space<vmem>>, vector<16xi32>,
        } else {
        }
        %add3A_370 = arith.constant 1 : i32
        %add3A_371 = arith.addi %select_n3A_360, %add3A_370 : i32
        %select_n3A_372 = arith.select %gt3A_363, %add3A_371, %select_n3A_360 : i32
        %slice3A_373 = vector.extract_strided_slice %get3A_237 {offsets = [11], sizes = [1], strides = [1]} : vector<16xf32> to vector<1xf32>
        %squeeze3A_374 = vector.extract %slice3A_373[0] : f32 from vector<1xf32>
        %gt3A_375 = arith.cmpf ogt, %squeeze3A_374, %sub3A_177 : f32
        %lt3A_376 = arith.constant 256 : i32
        %lt3A_377 = arith.cmpi slt, %select_n3A_372, %lt3A_376 : i32
        %and3A_378 = arith.andi %gt3A_375, %lt3A_377 : i1
        %convert_element_type3A_379 = arith.extui %and3A_378 : i1 to i32
        %cond3A_380 = arith.constant 0 : i32
        %cond3A_381 = arith.cmpi ne, %convert_element_type3A_379, %cond3A_380 : i32
        scf.if %cond3A_381 {
          %add3A_433 = arith.constant 11 : i32
          %add3A_434 = arith.addi %add3A_242, %add3A_433 : i32
          %broadcast_in_dim3A_435 = vector.broadcast %add3A_434 : i32 to vector<16xi32>
          %swap3A_436 = arith.index_cast %select_n3A_372 : i32 to index
          %swap3A_437 = tpu.vector_load %arg6[%swap3A_436] {strides = array<i32>} : memref<272xi32, #tpu.memory_space<vmem>>, vector<16xi32>,
          %swap3A_438 = vector.shape_cast %swap3A_437 : vector<16xi32> to vector<16xi32>
          %swap3A_439 = vector.shape_cast %broadcast_in_dim3A_435 : vector<16xi32> to vector<16xi32>
          tpu.vector_store %arg6[%swap3A_436], %swap3A_439 {strides = array<i32>} : memref<272xi32, #tpu.memory_space<vmem>>, vector<16xi32>,
        } else {
        }
        %add3A_382 = arith.constant 1 : i32
        %add3A_383 = arith.addi %select_n3A_372, %add3A_382 : i32
        %select_n3A_384 = arith.select %gt3A_375, %add3A_383, %select_n3A_372 : i32
        %slice3A_385 = vector.extract_strided_slice %get3A_237 {offsets = [12], sizes = [1], strides = [1]} : vector<16xf32> to vector<1xf32>
        %squeeze3A_386 = vector.extract %slice3A_385[0] : f32 from vector<1xf32>
        %gt3A_387 = arith.cmpf ogt, %squeeze3A_386, %sub3A_177 : f32
        %lt3A_388 = arith.constant 256 : i32
        %lt3A_389 = arith.cmpi slt, %select_n3A_384, %lt3A_388 : i32
        %and3A_390 = arith.andi %gt3A_387, %lt3A_389 : i1
        %convert_element_type3A_391 = arith.extui %and3A_390 : i1 to i32
        %cond3A_392 = arith.constant 0 : i32
        %cond3A_393 = arith.cmpi ne, %convert_element_type3A_391, %cond3A_392 : i32
        scf.if %cond3A_393 {
          %add3A_433 = arith.constant 12 : i32
          %add3A_434 = arith.addi %add3A_242, %add3A_433 : i32
          %broadcast_in_dim3A_435 = vector.broadcast %add3A_434 : i32 to vector<16xi32>
          %swap3A_436 = arith.index_cast %select_n3A_384 : i32 to index
          %swap3A_437 = tpu.vector_load %arg6[%swap3A_436] {strides = array<i32>} : memref<272xi32, #tpu.memory_space<vmem>>, vector<16xi32>,
          %swap3A_438 = vector.shape_cast %swap3A_437 : vector<16xi32> to vector<16xi32>
          %swap3A_439 = vector.shape_cast %broadcast_in_dim3A_435 : vector<16xi32> to vector<16xi32>
          tpu.vector_store %arg6[%swap3A_436], %swap3A_439 {strides = array<i32>} : memref<272xi32, #tpu.memory_space<vmem>>, vector<16xi32>,
        } else {
        }
        %add3A_394 = arith.constant 1 : i32
        %add3A_395 = arith.addi %select_n3A_384, %add3A_394 : i32
        %select_n3A_396 = arith.select %gt3A_387, %add3A_395, %select_n3A_384 : i32
        %slice3A_397 = vector.extract_strided_slice %get3A_237 {offsets = [13], sizes = [1], strides = [1]} : vector<16xf32> to vector<1xf32>
        %squeeze3A_398 = vector.extract %slice3A_397[0] : f32 from vector<1xf32>
        %gt3A_399 = arith.cmpf ogt, %squeeze3A_398, %sub3A_177 : f32
        %lt3A_400 = arith.constant 256 : i32
        %lt3A_401 = arith.cmpi slt, %select_n3A_396, %lt3A_400 : i32
        %and3A_402 = arith.andi %gt3A_399, %lt3A_401 : i1
        %convert_element_type3A_403 = arith.extui %and3A_402 : i1 to i32
        %cond3A_404 = arith.constant 0 : i32
        %cond3A_405 = arith.cmpi ne, %convert_element_type3A_403, %cond3A_404 : i32
        scf.if %cond3A_405 {
          %add3A_433 = arith.constant 13 : i32
          %add3A_434 = arith.addi %add3A_242, %add3A_433 : i32
          %broadcast_in_dim3A_435 = vector.broadcast %add3A_434 : i32 to vector<16xi32>
          %swap3A_436 = arith.index_cast %select_n3A_396 : i32 to index
          %swap3A_437 = tpu.vector_load %arg6[%swap3A_436] {strides = array<i32>} : memref<272xi32, #tpu.memory_space<vmem>>, vector<16xi32>,
          %swap3A_438 = vector.shape_cast %swap3A_437 : vector<16xi32> to vector<16xi32>
          %swap3A_439 = vector.shape_cast %broadcast_in_dim3A_435 : vector<16xi32> to vector<16xi32>
          tpu.vector_store %arg6[%swap3A_436], %swap3A_439 {strides = array<i32>} : memref<272xi32, #tpu.memory_space<vmem>>, vector<16xi32>,
        } else {
        }
        %add3A_406 = arith.constant 1 : i32
        %add3A_407 = arith.addi %select_n3A_396, %add3A_406 : i32
        %select_n3A_408 = arith.select %gt3A_399, %add3A_407, %select_n3A_396 : i32
        %slice3A_409 = vector.extract_strided_slice %get3A_237 {offsets = [14], sizes = [1], strides = [1]} : vector<16xf32> to vector<1xf32>
        %squeeze3A_410 = vector.extract %slice3A_409[0] : f32 from vector<1xf32>
        %gt3A_411 = arith.cmpf ogt, %squeeze3A_410, %sub3A_177 : f32
        %lt3A_412 = arith.constant 256 : i32
        %lt3A_413 = arith.cmpi slt, %select_n3A_408, %lt3A_412 : i32
        %and3A_414 = arith.andi %gt3A_411, %lt3A_413 : i1
        %convert_element_type3A_415 = arith.extui %and3A_414 : i1 to i32
        %cond3A_416 = arith.constant 0 : i32
        %cond3A_417 = arith.cmpi ne, %convert_element_type3A_415, %cond3A_416 : i32
        scf.if %cond3A_417 {
          %add3A_433 = arith.constant 14 : i32
          %add3A_434 = arith.addi %add3A_242, %add3A_433 : i32
          %broadcast_in_dim3A_435 = vector.broadcast %add3A_434 : i32 to vector<16xi32>
          %swap3A_436 = arith.index_cast %select_n3A_408 : i32 to index
          %swap3A_437 = tpu.vector_load %arg6[%swap3A_436] {strides = array<i32>} : memref<272xi32, #tpu.memory_space<vmem>>, vector<16xi32>,
          %swap3A_438 = vector.shape_cast %swap3A_437 : vector<16xi32> to vector<16xi32>
          %swap3A_439 = vector.shape_cast %broadcast_in_dim3A_435 : vector<16xi32> to vector<16xi32>
          tpu.vector_store %arg6[%swap3A_436], %swap3A_439 {strides = array<i32>} : memref<272xi32, #tpu.memory_space<vmem>>, vector<16xi32>,
        } else {
        }
        %add3A_418 = arith.constant 1 : i32
        %add3A_419 = arith.addi %select_n3A_408, %add3A_418 : i32
        %select_n3A_420 = arith.select %gt3A_411, %add3A_419, %select_n3A_408 : i32
        %slice3A_421 = vector.extract_strided_slice %get3A_237 {offsets = [15], sizes = [1], strides = [1]} : vector<16xf32> to vector<1xf32>
        %squeeze3A_422 = vector.extract %slice3A_421[0] : f32 from vector<1xf32>
        %gt3A_423 = arith.cmpf ogt, %squeeze3A_422, %sub3A_177 : f32
        %lt3A_424 = arith.constant 256 : i32
        %lt3A_425 = arith.cmpi slt, %select_n3A_420, %lt3A_424 : i32
        %and3A_426 = arith.andi %gt3A_423, %lt3A_425 : i1
        %convert_element_type3A_427 = arith.extui %and3A_426 : i1 to i32
        %cond3A_428 = arith.constant 0 : i32
        %cond3A_429 = arith.cmpi ne, %convert_element_type3A_427, %cond3A_428 : i32
        scf.if %cond3A_429 {
          %add3A_433 = arith.constant 15 : i32
          %add3A_434 = arith.addi %add3A_242, %add3A_433 : i32
          %broadcast_in_dim3A_435 = vector.broadcast %add3A_434 : i32 to vector<16xi32>
          %swap3A_436 = arith.index_cast %select_n3A_420 : i32 to index
          %swap3A_437 = tpu.vector_load %arg6[%swap3A_436] {strides = array<i32>} : memref<272xi32, #tpu.memory_space<vmem>>, vector<16xi32>,
          %swap3A_438 = vector.shape_cast %swap3A_437 : vector<16xi32> to vector<16xi32>
          %swap3A_439 = vector.shape_cast %broadcast_in_dim3A_435 : vector<16xi32> to vector<16xi32>
          tpu.vector_store %arg6[%swap3A_436], %swap3A_439 {strides = array<i32>} : memref<272xi32, #tpu.memory_space<vmem>>, vector<16xi32>,
        } else {
        }
        %add3A_430 = arith.constant 1 : i32
        %add3A_431 = arith.addi %select_n3A_420, %add3A_430 : i32
        %select_n3A_432 = arith.select %gt3A_423, %add3A_431, %select_n3A_420 : i32
        scf.yield %select_n3A_432 : i32
      }
      %scan3A_184 = arith.constant 16 : i32
      %min3A = arith.constant 256 : i32
      %min3A_185 = arith.minsi %scan3A_183, %min3A : i32
      %gt3A = arith.constant 0 : i32
      %gt3A_186 = arith.cmpi sgt, %min3A_185, %gt3A : i32
      %convert_element_type3A = arith.extui %gt3A_186 : i1 to i32
      %cond3A = arith.constant 0 : i32
      %cond3A_187 = arith.cmpi ne, %convert_element_type3A, %cond3A : i32
      scf.if %cond3A_187 {
        %dma_start3A_231 = arith.constant 0 : i32
        %dma_start3A_232 = arith.constant 0 : i32
        %dma_start3A_233 = tpu.memref_slice %arg7[%dma_start3A_231, %dma_start3A_232] : memref<256x128xf32, #tpu.memory_space<vmem>> -> memref<32x128xf32, #tpu.memory_space<vmem>>
        %dma_start3A_234 = arith.constant 0 : i32
        %dma_start3A_235 = tpu.memref_slice %arg6[%dma_start3A_234] : memref<272xi32, #tpu.memory_space<vmem>> -> memref<32xi32, #tpu.memory_space<vmem>>
        %dma_start3A_236 = arith.constant 0 : i32
        %dma_start3A_237 = arith.constant 0 : i32
        %dma_start3A_238 = tpu.memref_slice %arg2[%dma_start3A_236, %dma_start3A_237] : memref<32768x128xf32, #tpu.memory_space<hbm>> -> memref<32768x128xf32, #tpu.memory_space<hbm>>
        tpu.enqueue_indirect_dma source(%dma_start3A_238 : memref<32768x128xf32, #tpu.memory_space<hbm>>) target(%dma_start3A_233 : memref<32x128xf32, #tpu.memory_space<vmem>>) offsets(%dma_start3A_235 : memref<32xi32, #tpu.memory_space<vmem>>) semaphore(%arg9 : memref<!tpu.dma_semaphore, #tpu.memory_space<semaphore_mem>>)
        %dma_wait3A_239 = arith.constant 0 : i32
        %dma_wait3A_240 = arith.constant 0 : i32
        %dma_wait3A_241 = tpu.memref_slice %arg7[%dma_wait3A_239, %dma_wait3A_240] : memref<256x128xf32, #tpu.memory_space<vmem>> -> memref<32x128xf32, #tpu.memory_space<vmem>>
        %dma_wait3A_242 = arith.constant 0 : i32
        %dma_wait3A_243 = tpu.memref_slice %arg6[%dma_wait3A_242] : memref<272xi32, #tpu.memory_space<vmem>> -> memref<32xi32, #tpu.memory_space<vmem>>
        %dma_wait3A_244 = arith.constant 0 : i32
        %dma_wait3A_245 = arith.constant 0 : i32
        %dma_wait3A_246 = tpu.memref_slice %arg2[%dma_wait3A_244, %dma_wait3A_245] : memref<32768x128xf32, #tpu.memory_space<hbm>> -> memref<32768x128xf32, #tpu.memory_space<hbm>>
        tpu.wait_indirect_dma semaphore(%arg9 : memref<!tpu.dma_semaphore, #tpu.memory_space<semaphore_mem>>) src(%dma_wait3A_246 : memref<32768x128xf32, #tpu.memory_space<hbm>>) dst(%dma_wait3A_241 : memref<32x128xf32, #tpu.memory_space<vmem>>)
      } else {
      }
      %gt3A_188 = arith.constant 32 : i32
      %gt3A_189 = arith.cmpi sgt, %min3A_185, %gt3A_188 : i32
      %convert_element_type3A_190 = arith.extui %gt3A_189 : i1 to i32
      %cond3A_191 = arith.constant 0 : i32
      %cond3A_192 = arith.cmpi ne, %convert_element_type3A_190, %cond3A_191 : i32
      scf.if %cond3A_192 {
        %dma_start3A_231 = arith.constant 32 : i32
        %dma_start3A_232 = arith.constant 0 : i32
        %dma_start3A_233 = tpu.memref_slice %arg7[%dma_start3A_231, %dma_start3A_232] : memref<256x128xf32, #tpu.memory_space<vmem>> -> memref<32x128xf32, #tpu.memory_space<vmem>>
        %dma_start3A_234 = arith.constant 32 : i32
        %dma_start3A_235 = tpu.memref_slice %arg6[%dma_start3A_234] : memref<272xi32, #tpu.memory_space<vmem>> -> memref<32xi32, #tpu.memory_space<vmem>>
        %dma_start3A_236 = arith.constant 0 : i32
        %dma_start3A_237 = arith.constant 0 : i32
        %dma_start3A_238 = tpu.memref_slice %arg2[%dma_start3A_236, %dma_start3A_237] : memref<32768x128xf32, #tpu.memory_space<hbm>> -> memref<32768x128xf32, #tpu.memory_space<hbm>>
        tpu.enqueue_indirect_dma source(%dma_start3A_238 : memref<32768x128xf32, #tpu.memory_space<hbm>>) target(%dma_start3A_233 : memref<32x128xf32, #tpu.memory_space<vmem>>) offsets(%dma_start3A_235 : memref<32xi32, #tpu.memory_space<vmem>>) semaphore(%arg9 : memref<!tpu.dma_semaphore, #tpu.memory_space<semaphore_mem>>)
        %dma_wait3A_239 = arith.constant 32 : i32
        %dma_wait3A_240 = arith.constant 0 : i32
        %dma_wait3A_241 = tpu.memref_slice %arg7[%dma_wait3A_239, %dma_wait3A_240] : memref<256x128xf32, #tpu.memory_space<vmem>> -> memref<32x128xf32, #tpu.memory_space<vmem>>
        %dma_wait3A_242 = arith.constant 32 : i32
        %dma_wait3A_243 = tpu.memref_slice %arg6[%dma_wait3A_242] : memref<272xi32, #tpu.memory_space<vmem>> -> memref<32xi32, #tpu.memory_space<vmem>>
        %dma_wait3A_244 = arith.constant 0 : i32
        %dma_wait3A_245 = arith.constant 0 : i32
        %dma_wait3A_246 = tpu.memref_slice %arg2[%dma_wait3A_244, %dma_wait3A_245] : memref<32768x128xf32, #tpu.memory_space<hbm>> -> memref<32768x128xf32, #tpu.memory_space<hbm>>
        tpu.wait_indirect_dma semaphore(%arg9 : memref<!tpu.dma_semaphore, #tpu.memory_space<semaphore_mem>>) src(%dma_wait3A_246 : memref<32768x128xf32, #tpu.memory_space<hbm>>) dst(%dma_wait3A_241 : memref<32x128xf32, #tpu.memory_space<vmem>>)
      } else {
      }
      %gt3A_193 = arith.constant 64 : i32
      %gt3A_194 = arith.cmpi sgt, %min3A_185, %gt3A_193 : i32
      %convert_element_type3A_195 = arith.extui %gt3A_194 : i1 to i32
      %cond3A_196 = arith.constant 0 : i32
      %cond3A_197 = arith.cmpi ne, %convert_element_type3A_195, %cond3A_196 : i32
      scf.if %cond3A_197 {
        %dma_start3A_231 = arith.constant 64 : i32
        %dma_start3A_232 = arith.constant 0 : i32
        %dma_start3A_233 = tpu.memref_slice %arg7[%dma_start3A_231, %dma_start3A_232] : memref<256x128xf32, #tpu.memory_space<vmem>> -> memref<32x128xf32, #tpu.memory_space<vmem>>
        %dma_start3A_234 = arith.constant 64 : i32
        %dma_start3A_235 = tpu.memref_slice %arg6[%dma_start3A_234] : memref<272xi32, #tpu.memory_space<vmem>> -> memref<32xi32, #tpu.memory_space<vmem>>
        %dma_start3A_236 = arith.constant 0 : i32
        %dma_start3A_237 = arith.constant 0 : i32
        %dma_start3A_238 = tpu.memref_slice %arg2[%dma_start3A_236, %dma_start3A_237] : memref<32768x128xf32, #tpu.memory_space<hbm>> -> memref<32768x128xf32, #tpu.memory_space<hbm>>
        tpu.enqueue_indirect_dma source(%dma_start3A_238 : memref<32768x128xf32, #tpu.memory_space<hbm>>) target(%dma_start3A_233 : memref<32x128xf32, #tpu.memory_space<vmem>>) offsets(%dma_start3A_235 : memref<32xi32, #tpu.memory_space<vmem>>) semaphore(%arg9 : memref<!tpu.dma_semaphore, #tpu.memory_space<semaphore_mem>>)
        %dma_wait3A_239 = arith.constant 64 : i32
        %dma_wait3A_240 = arith.constant 0 : i32
        %dma_wait3A_241 = tpu.memref_slice %arg7[%dma_wait3A_239, %dma_wait3A_240] : memref<256x128xf32, #tpu.memory_space<vmem>> -> memref<32x128xf32, #tpu.memory_space<vmem>>
        %dma_wait3A_242 = arith.constant 64 : i32
        %dma_wait3A_243 = tpu.memref_slice %arg6[%dma_wait3A_242] : memref<272xi32, #tpu.memory_space<vmem>> -> memref<32xi32, #tpu.memory_space<vmem>>
        %dma_wait3A_244 = arith.constant 0 : i32
        %dma_wait3A_245 = arith.constant 0 : i32
        %dma_wait3A_246 = tpu.memref_slice %arg2[%dma_wait3A_244, %dma_wait3A_245] : memref<32768x128xf32, #tpu.memory_space<hbm>> -> memref<32768x128xf32, #tpu.memory_space<hbm>>
        tpu.wait_indirect_dma semaphore(%arg9 : memref<!tpu.dma_semaphore, #tpu.memory_space<semaphore_mem>>) src(%dma_wait3A_246 : memref<32768x128xf32, #tpu.memory_space<hbm>>) dst(%dma_wait3A_241 : memref<32x128xf32, #tpu.memory_space<vmem>>)
      } else {
      }
      %gt3A_198 = arith.constant 96 : i32
      %gt3A_199 = arith.cmpi sgt, %min3A_185, %gt3A_198 : i32
      %convert_element_type3A_200 = arith.extui %gt3A_199 : i1 to i32
      %cond3A_201 = arith.constant 0 : i32
      %cond3A_202 = arith.cmpi ne, %convert_element_type3A_200, %cond3A_201 : i32
      scf.if %cond3A_202 {
        %dma_start3A_231 = arith.constant 96 : i32
        %dma_start3A_232 = arith.constant 0 : i32
        %dma_start3A_233 = tpu.memref_slice %arg7[%dma_start3A_231, %dma_start3A_232] : memref<256x128xf32, #tpu.memory_space<vmem>> -> memref<32x128xf32, #tpu.memory_space<vmem>>
        %dma_start3A_234 = arith.constant 96 : i32
        %dma_start3A_235 = tpu.memref_slice %arg6[%dma_start3A_234] : memref<272xi32, #tpu.memory_space<vmem>> -> memref<32xi32, #tpu.memory_space<vmem>>
        %dma_start3A_236 = arith.constant 0 : i32
        %dma_start3A_237 = arith.constant 0 : i32
        %dma_start3A_238 = tpu.memref_slice %arg2[%dma_start3A_236, %dma_start3A_237] : memref<32768x128xf32, #tpu.memory_space<hbm>> -> memref<32768x128xf32, #tpu.memory_space<hbm>>
        tpu.enqueue_indirect_dma source(%dma_start3A_238 : memref<32768x128xf32, #tpu.memory_space<hbm>>) target(%dma_start3A_233 : memref<32x128xf32, #tpu.memory_space<vmem>>) offsets(%dma_start3A_235 : memref<32xi32, #tpu.memory_space<vmem>>) semaphore(%arg9 : memref<!tpu.dma_semaphore, #tpu.memory_space<semaphore_mem>>)
        %dma_wait3A_239 = arith.constant 96 : i32
        %dma_wait3A_240 = arith.constant 0 : i32
        %dma_wait3A_241 = tpu.memref_slice %arg7[%dma_wait3A_239, %dma_wait3A_240] : memref<256x128xf32, #tpu.memory_space<vmem>> -> memref<32x128xf32, #tpu.memory_space<vmem>>
        %dma_wait3A_242 = arith.constant 96 : i32
        %dma_wait3A_243 = tpu.memref_slice %arg6[%dma_wait3A_242] : memref<272xi32, #tpu.memory_space<vmem>> -> memref<32xi32, #tpu.memory_space<vmem>>
        %dma_wait3A_244 = arith.constant 0 : i32
        %dma_wait3A_245 = arith.constant 0 : i32
        %dma_wait3A_246 = tpu.memref_slice %arg2[%dma_wait3A_244, %dma_wait3A_245] : memref<32768x128xf32, #tpu.memory_space<hbm>> -> memref<32768x128xf32, #tpu.memory_space<hbm>>
        tpu.wait_indirect_dma semaphore(%arg9 : memref<!tpu.dma_semaphore, #tpu.memory_space<semaphore_mem>>) src(%dma_wait3A_246 : memref<32768x128xf32, #tpu.memory_space<hbm>>) dst(%dma_wait3A_241 : memref<32x128xf32, #tpu.memory_space<vmem>>)
      } else {
      }
      %gt3A_203 = arith.constant 128 : i32
      %gt3A_204 = arith.cmpi sgt, %min3A_185, %gt3A_203 : i32
      %convert_element_type3A_205 = arith.extui %gt3A_204 : i1 to i32
      %cond3A_206 = arith.constant 0 : i32
      %cond3A_207 = arith.cmpi ne, %convert_element_type3A_205, %cond3A_206 : i32
      scf.if %cond3A_207 {
        %dma_start3A_231 = arith.constant 128 : i32
        %dma_start3A_232 = arith.constant 0 : i32
        %dma_start3A_233 = tpu.memref_slice %arg7[%dma_start3A_231, %dma_start3A_232] : memref<256x128xf32, #tpu.memory_space<vmem>> -> memref<32x128xf32, #tpu.memory_space<vmem>>
        %dma_start3A_234 = arith.constant 128 : i32
        %dma_start3A_235 = tpu.memref_slice %arg6[%dma_start3A_234] : memref<272xi32, #tpu.memory_space<vmem>> -> memref<32xi32, #tpu.memory_space<vmem>>
        %dma_start3A_236 = arith.constant 0 : i32
        %dma_start3A_237 = arith.constant 0 : i32
        %dma_start3A_238 = tpu.memref_slice %arg2[%dma_start3A_236, %dma_start3A_237] : memref<32768x128xf32, #tpu.memory_space<hbm>> -> memref<32768x128xf32, #tpu.memory_space<hbm>>
        tpu.enqueue_indirect_dma source(%dma_start3A_238 : memref<32768x128xf32, #tpu.memory_space<hbm>>) target(%dma_start3A_233 : memref<32x128xf32, #tpu.memory_space<vmem>>) offsets(%dma_start3A_235 : memref<32xi32, #tpu.memory_space<vmem>>) semaphore(%arg9 : memref<!tpu.dma_semaphore, #tpu.memory_space<semaphore_mem>>)
        %dma_wait3A_239 = arith.constant 128 : i32
        %dma_wait3A_240 = arith.constant 0 : i32
        %dma_wait3A_241 = tpu.memref_slice %arg7[%dma_wait3A_239, %dma_wait3A_240] : memref<256x128xf32, #tpu.memory_space<vmem>> -> memref<32x128xf32, #tpu.memory_space<vmem>>
        %dma_wait3A_242 = arith.constant 128 : i32
        %dma_wait3A_243 = tpu.memref_slice %arg6[%dma_wait3A_242] : memref<272xi32, #tpu.memory_space<vmem>> -> memref<32xi32, #tpu.memory_space<vmem>>
        %dma_wait3A_244 = arith.constant 0 : i32
        %dma_wait3A_245 = arith.constant 0 : i32
        %dma_wait3A_246 = tpu.memref_slice %arg2[%dma_wait3A_244, %dma_wait3A_245] : memref<32768x128xf32, #tpu.memory_space<hbm>> -> memref<32768x128xf32, #tpu.memory_space<hbm>>
        tpu.wait_indirect_dma semaphore(%arg9 : memref<!tpu.dma_semaphore, #tpu.memory_space<semaphore_mem>>) src(%dma_wait3A_246 : memref<32768x128xf32, #tpu.memory_space<hbm>>) dst(%dma_wait3A_241 : memref<32x128xf32, #tpu.memory_space<vmem>>)
      } else {
      }
      %gt3A_208 = arith.constant 160 : i32
      %gt3A_209 = arith.cmpi sgt, %min3A_185, %gt3A_208 : i32
      %convert_element_type3A_210 = arith.extui %gt3A_209 : i1 to i32
      %cond3A_211 = arith.constant 0 : i32
      %cond3A_212 = arith.cmpi ne, %convert_element_type3A_210, %cond3A_211 : i32
      scf.if %cond3A_212 {
        %dma_start3A_231 = arith.constant 160 : i32
        %dma_start3A_232 = arith.constant 0 : i32
        %dma_start3A_233 = tpu.memref_slice %arg7[%dma_start3A_231, %dma_start3A_232] : memref<256x128xf32, #tpu.memory_space<vmem>> -> memref<32x128xf32, #tpu.memory_space<vmem>>
        %dma_start3A_234 = arith.constant 160 : i32
        %dma_start3A_235 = tpu.memref_slice %arg6[%dma_start3A_234] : memref<272xi32, #tpu.memory_space<vmem>> -> memref<32xi32, #tpu.memory_space<vmem>>
        %dma_start3A_236 = arith.constant 0 : i32
        %dma_start3A_237 = arith.constant 0 : i32
        %dma_start3A_238 = tpu.memref_slice %arg2[%dma_start3A_236, %dma_start3A_237] : memref<32768x128xf32, #tpu.memory_space<hbm>> -> memref<32768x128xf32, #tpu.memory_space<hbm>>
        tpu.enqueue_indirect_dma source(%dma_start3A_238 : memref<32768x128xf32, #tpu.memory_space<hbm>>) target(%dma_start3A_233 : memref<32x128xf32, #tpu.memory_space<vmem>>) offsets(%dma_start3A_235 : memref<32xi32, #tpu.memory_space<vmem>>) semaphore(%arg9 : memref<!tpu.dma_semaphore, #tpu.memory_space<semaphore_mem>>)
        %dma_wait3A_239 = arith.constant 160 : i32
        %dma_wait3A_240 = arith.constant 0 : i32
        %dma_wait3A_241 = tpu.memref_slice %arg7[%dma_wait3A_239, %dma_wait3A_240] : memref<256x128xf32, #tpu.memory_space<vmem>> -> memref<32x128xf32, #tpu.memory_space<vmem>>
        %dma_wait3A_242 = arith.constant 160 : i32
        %dma_wait3A_243 = tpu.memref_slice %arg6[%dma_wait3A_242] : memref<272xi32, #tpu.memory_space<vmem>> -> memref<32xi32, #tpu.memory_space<vmem>>
        %dma_wait3A_244 = arith.constant 0 : i32
        %dma_wait3A_245 = arith.constant 0 : i32
        %dma_wait3A_246 = tpu.memref_slice %arg2[%dma_wait3A_244, %dma_wait3A_245] : memref<32768x128xf32, #tpu.memory_space<hbm>> -> memref<32768x128xf32, #tpu.memory_space<hbm>>
        tpu.wait_indirect_dma semaphore(%arg9 : memref<!tpu.dma_semaphore, #tpu.memory_space<semaphore_mem>>) src(%dma_wait3A_246 : memref<32768x128xf32, #tpu.memory_space<hbm>>) dst(%dma_wait3A_241 : memref<32x128xf32, #tpu.memory_space<vmem>>)
      } else {
      }
      %gt3A_213 = arith.constant 192 : i32
      %gt3A_214 = arith.cmpi sgt, %min3A_185, %gt3A_213 : i32
      %convert_element_type3A_215 = arith.extui %gt3A_214 : i1 to i32
      %cond3A_216 = arith.constant 0 : i32
      %cond3A_217 = arith.cmpi ne, %convert_element_type3A_215, %cond3A_216 : i32
      scf.if %cond3A_217 {
        %dma_start3A_231 = arith.constant 192 : i32
        %dma_start3A_232 = arith.constant 0 : i32
        %dma_start3A_233 = tpu.memref_slice %arg7[%dma_start3A_231, %dma_start3A_232] : memref<256x128xf32, #tpu.memory_space<vmem>> -> memref<32x128xf32, #tpu.memory_space<vmem>>
        %dma_start3A_234 = arith.constant 192 : i32
        %dma_start3A_235 = tpu.memref_slice %arg6[%dma_start3A_234] : memref<272xi32, #tpu.memory_space<vmem>> -> memref<32xi32, #tpu.memory_space<vmem>>
        %dma_start3A_236 = arith.constant 0 : i32
        %dma_start3A_237 = arith.constant 0 : i32
        %dma_start3A_238 = tpu.memref_slice %arg2[%dma_start3A_236, %dma_start3A_237] : memref<32768x128xf32, #tpu.memory_space<hbm>> -> memref<32768x128xf32, #tpu.memory_space<hbm>>
        tpu.enqueue_indirect_dma source(%dma_start3A_238 : memref<32768x128xf32, #tpu.memory_space<hbm>>) target(%dma_start3A_233 : memref<32x128xf32, #tpu.memory_space<vmem>>) offsets(%dma_start3A_235 : memref<32xi32, #tpu.memory_space<vmem>>) semaphore(%arg9 : memref<!tpu.dma_semaphore, #tpu.memory_space<semaphore_mem>>)
        %dma_wait3A_239 = arith.constant 192 : i32
        %dma_wait3A_240 = arith.constant 0 : i32
        %dma_wait3A_241 = tpu.memref_slice %arg7[%dma_wait3A_239, %dma_wait3A_240] : memref<256x128xf32, #tpu.memory_space<vmem>> -> memref<32x128xf32, #tpu.memory_space<vmem>>
        %dma_wait3A_242 = arith.constant 192 : i32
        %dma_wait3A_243 = tpu.memref_slice %arg6[%dma_wait3A_242] : memref<272xi32, #tpu.memory_space<vmem>> -> memref<32xi32, #tpu.memory_space<vmem>>
        %dma_wait3A_244 = arith.constant 0 : i32
        %dma_wait3A_245 = arith.constant 0 : i32
        %dma_wait3A_246 = tpu.memref_slice %arg2[%dma_wait3A_244, %dma_wait3A_245] : memref<32768x128xf32, #tpu.memory_space<hbm>> -> memref<32768x128xf32, #tpu.memory_space<hbm>>
        tpu.wait_indirect_dma semaphore(%arg9 : memref<!tpu.dma_semaphore, #tpu.memory_space<semaphore_mem>>) src(%dma_wait3A_246 : memref<32768x128xf32, #tpu.memory_space<hbm>>) dst(%dma_wait3A_241 : memref<32x128xf32, #tpu.memory_space<vmem>>)
      } else {
      }
      %gt3A_218 = arith.constant 224 : i32
      %gt3A_219 = arith.cmpi sgt, %min3A_185, %gt3A_218 : i32
      %convert_element_type3A_220 = arith.extui %gt3A_219 : i1 to i32
      %cond3A_221 = arith.constant 0 : i32
      %cond3A_222 = arith.cmpi ne, %convert_element_type3A_220, %cond3A_221 : i32
      scf.if %cond3A_222 {
        %dma_start3A_231 = arith.constant 224 : i32
        %dma_start3A_232 = arith.constant 0 : i32
        %dma_start3A_233 = tpu.memref_slice %arg7[%dma_start3A_231, %dma_start3A_232] : memref<256x128xf32, #tpu.memory_space<vmem>> -> memref<32x128xf32, #tpu.memory_space<vmem>>
        %dma_start3A_234 = arith.constant 224 : i32
        %dma_start3A_235 = tpu.memref_slice %arg6[%dma_start3A_234] : memref<272xi32, #tpu.memory_space<vmem>> -> memref<32xi32, #tpu.memory_space<vmem>>
        %dma_start3A_236 = arith.constant 0 : i32
        %dma_start3A_237 = arith.constant 0 : i32
        %dma_start3A_238 = tpu.memref_slice %arg2[%dma_start3A_236, %dma_start3A_237] : memref<32768x128xf32, #tpu.memory_space<hbm>> -> memref<32768x128xf32, #tpu.memory_space<hbm>>
        tpu.enqueue_indirect_dma source(%dma_start3A_238 : memref<32768x128xf32, #tpu.memory_space<hbm>>) target(%dma_start3A_233 : memref<32x128xf32, #tpu.memory_space<vmem>>) offsets(%dma_start3A_235 : memref<32xi32, #tpu.memory_space<vmem>>) semaphore(%arg9 : memref<!tpu.dma_semaphore, #tpu.memory_space<semaphore_mem>>)
        %dma_wait3A_239 = arith.constant 224 : i32
        %dma_wait3A_240 = arith.constant 0 : i32
        %dma_wait3A_241 = tpu.memref_slice %arg7[%dma_wait3A_239, %dma_wait3A_240] : memref<256x128xf32, #tpu.memory_space<vmem>> -> memref<32x128xf32, #tpu.memory_space<vmem>>
        %dma_wait3A_242 = arith.constant 224 : i32
        %dma_wait3A_243 = tpu.memref_slice %arg6[%dma_wait3A_242] : memref<272xi32, #tpu.memory_space<vmem>> -> memref<32xi32, #tpu.memory_space<vmem>>
        %dma_wait3A_244 = arith.constant 0 : i32
        %dma_wait3A_245 = arith.constant 0 : i32
        %dma_wait3A_246 = tpu.memref_slice %arg2[%dma_wait3A_244, %dma_wait3A_245] : memref<32768x128xf32, #tpu.memory_space<hbm>> -> memref<32768x128xf32, #tpu.memory_space<hbm>>
        tpu.wait_indirect_dma semaphore(%arg9 : memref<!tpu.dma_semaphore, #tpu.memory_space<semaphore_mem>>) src(%dma_wait3A_246 : memref<32768x128xf32, #tpu.memory_space<hbm>>) dst(%dma_wait3A_241 : memref<32x128xf32, #tpu.memory_space<vmem>>)
      } else {
      }
      %broadcast_in_dim3A_223 = vector.broadcast %sub3A_177 : f32 to vector<16xf32>
      %scan3A_224 = arith.constant 0 : i32
      %scan3A_225 = arith.constant 12 : i32
      %scan3A_226 = arith.addi %scan3A_224, %scan3A_225 : i32
      %scan3A_227 = arith.constant 1 : i32
      %scan3A_228 = scf.for %scan3A_231 = %scan3A_224 to %scan3A_226 step %scan3A_227 iter_args(%scan3A_232 = %broadcast_in_dim3A_223) -> (vector<16xf32>)  : i32 {
        %broadcast_in_dim3A_233 = arith.constant 0.000000e+00 : f32
        %broadcast_in_dim3A_234 = vector.broadcast %broadcast_in_dim3A_233 : f32 to vector<16xf32>
        %while3A = arith.constant 0 : i32
        %while3A_235 = arith.subi %min3A_185, %while3A : i32
        %while3A_236 = arith.addi %while3A, %while3A_235 : i32
        %while3A_237 = arith.constant 1 : i32
        %while3A_238 = arith.divsi %while3A_235, %while3A_237 : i32
        %while3A_239 = arith.muli %while3A_238, %while3A_237 : i32
        %while3A_240 = arith.addi %while3A, %while3A_239 : i32
        %while3A_241 = arith.constant 1 : i32
        %while3A_242:16 = scf.for %while3A_362 = %while3A to %while3A_240 step %while3A_241 iter_args(%while3A_363 = %broadcast_in_dim3A_234, %while3A_364 = %broadcast_in_dim3A_234, %while3A_365 = %broadcast_in_dim3A_234, %while3A_366 = %broadcast_in_dim3A_234, %while3A_367 = %broadcast_in_dim3A_234, %while3A_368 = %broadcast_in_dim3A_234, %while3A_369 = %broadcast_in_dim3A_234, %while3A_370 = %broadcast_in_dim3A_234, %while3A_371 = %broadcast_in_dim3A_234, %while3A_372 = %broadcast_in_dim3A_234, %while3A_373 = %broadcast_in_dim3A_234, %while3A_374 = %broadcast_in_dim3A_234, %while3A_375 = %broadcast_in_dim3A_234, %while3A_376 = %broadcast_in_dim3A_234, %while3A_377 = %broadcast_in_dim3A_234, %while3A_378 = %broadcast_in_dim3A_234) -> (vector<16xf32>, vector<16xf32>, vector<16xf32>, vector<16xf32>, vector<16xf32>, vector<16xf32>, vector<16xf32>, vector<16xf32>, vector<16xf32>, vector<16xf32>, vector<16xf32>, vector<16xf32>, vector<16xf32>, vector<16xf32>, vector<16xf32>, vector<16xf32>)  : i32 {
          %get3A = arith.index_cast %while3A_362 : i32 to index
          %get3A_379 = arith.constant 0 : index
          %get3A_380 = tpu.vector_load %arg7[%get3A, %get3A_379] {strides = array<i32>} : memref<256x128xf32, #tpu.memory_space<vmem>>, vector<1x16xf32>,
          %get3A_381 = vector.shape_cast %get3A_380 : vector<1x16xf32> to vector<16xf32>
          %sub3A_382 = arith.subf %get3A_381, %scan3A_232 : vector<16xf32>
          %max3A_383 = arith.constant 0.000000e+00 : f32
          %max3A_384 = vector.broadcast %max3A_383 : f32 to vector<16xf32>
          %max3A_385 = arith.maximumf %sub3A_382, %max3A_384 : vector<16xf32>
          %add3A_386 = arith.addf %while3A_363, %max3A_385 : vector<16xf32>
          %gt3A_387 = arith.constant 0.000000e+00 : f32
          %gt3A_388 = vector.broadcast %gt3A_387 : f32 to vector<16xf32>
          %gt3A_389 = arith.cmpf ogt, %sub3A_382, %gt3A_388 : vector<16xf32>
          %jit3A = arith.constant 1.000000e+00 : f32
          %jit3A_390 = arith.constant 0.000000e+00 : f32
          %broadcast_in_dim3A_391 = vector.broadcast %jit3A : f32 to vector<16xf32>
          %broadcast_in_dim3A_392 = vector.broadcast %jit3A_390 : f32 to vector<16xf32>
          %select_n3A_393 = arith.select %gt3A_389, %broadcast_in_dim3A_391, %broadcast_in_dim3A_392 : vector<16xi1>, vector<16xf32>
          %add3A_394 = arith.addf %while3A_371, %select_n3A_393 : vector<16xf32>
          %get3A_395 = arith.index_cast %while3A_362 : i32 to index
          %get3A_396 = arith.constant 16 : index
          %get3A_397 = tpu.vector_load %arg7[%get3A_395, %get3A_396] {strides = array<i32>} : memref<256x128xf32, #tpu.memory_space<vmem>>, vector<1x16xf32>,
          %get3A_398 = vector.shape_cast %get3A_397 : vector<1x16xf32> to vector<16xf32>
          %sub3A_399 = arith.subf %get3A_398, %scan3A_232 : vector<16xf32>
          %max3A_400 = arith.constant 0.000000e+00 : f32
          %max3A_401 = vector.broadcast %max3A_400 : f32 to vector<16xf32>
          %max3A_402 = arith.maximumf %sub3A_399, %max3A_401 : vector<16xf32>
          %add3A_403 = arith.addf %while3A_364, %max3A_402 : vector<16xf32>
          %gt3A_404 = arith.constant 0.000000e+00 : f32
          %gt3A_405 = vector.broadcast %gt3A_404 : f32 to vector<16xf32>
          %gt3A_406 = arith.cmpf ogt, %sub3A_399, %gt3A_405 : vector<16xf32>
          %jit3A_407 = arith.constant 1.000000e+00 : f32
          %jit3A_408 = arith.constant 0.000000e+00 : f32
          %broadcast_in_dim3A_409 = vector.broadcast %jit3A_407 : f32 to vector<16xf32>
          %broadcast_in_dim3A_410 = vector.broadcast %jit3A_408 : f32 to vector<16xf32>
          %select_n3A_411 = arith.select %gt3A_406, %broadcast_in_dim3A_409, %broadcast_in_dim3A_410 : vector<16xi1>, vector<16xf32>
          %add3A_412 = arith.addf %while3A_372, %select_n3A_411 : vector<16xf32>
          %get3A_413 = arith.index_cast %while3A_362 : i32 to index
          %get3A_414 = arith.constant 32 : index
          %get3A_415 = tpu.vector_load %arg7[%get3A_413, %get3A_414] {strides = array<i32>} : memref<256x128xf32, #tpu.memory_space<vmem>>, vector<1x16xf32>,
          %get3A_416 = vector.shape_cast %get3A_415 : vector<1x16xf32> to vector<16xf32>
          %sub3A_417 = arith.subf %get3A_416, %scan3A_232 : vector<16xf32>
          %max3A_418 = arith.constant 0.000000e+00 : f32
          %max3A_419 = vector.broadcast %max3A_418 : f32 to vector<16xf32>
          %max3A_420 = arith.maximumf %sub3A_417, %max3A_419 : vector<16xf32>
          %add3A_421 = arith.addf %while3A_365, %max3A_420 : vector<16xf32>
          %gt3A_422 = arith.constant 0.000000e+00 : f32
          %gt3A_423 = vector.broadcast %gt3A_422 : f32 to vector<16xf32>
          %gt3A_424 = arith.cmpf ogt, %sub3A_417, %gt3A_423 : vector<16xf32>
          %jit3A_425 = arith.constant 1.000000e+00 : f32
          %jit3A_426 = arith.constant 0.000000e+00 : f32
          %broadcast_in_dim3A_427 = vector.broadcast %jit3A_425 : f32 to vector<16xf32>
          %broadcast_in_dim3A_428 = vector.broadcast %jit3A_426 : f32 to vector<16xf32>
          %select_n3A_429 = arith.select %gt3A_424, %broadcast_in_dim3A_427, %broadcast_in_dim3A_428 : vector<16xi1>, vector<16xf32>
          %add3A_430 = arith.addf %while3A_373, %select_n3A_429 : vector<16xf32>
          %get3A_431 = arith.index_cast %while3A_362 : i32 to index
          %get3A_432 = arith.constant 48 : index
          %get3A_433 = tpu.vector_load %arg7[%get3A_431, %get3A_432] {strides = array<i32>} : memref<256x128xf32, #tpu.memory_space<vmem>>, vector<1x16xf32>,
          %get3A_434 = vector.shape_cast %get3A_433 : vector<1x16xf32> to vector<16xf32>
          %sub3A_435 = arith.subf %get3A_434, %scan3A_232 : vector<16xf32>
          %max3A_436 = arith.constant 0.000000e+00 : f32
          %max3A_437 = vector.broadcast %max3A_436 : f32 to vector<16xf32>
          %max3A_438 = arith.maximumf %sub3A_435, %max3A_437 : vector<16xf32>
          %add3A_439 = arith.addf %while3A_366, %max3A_438 : vector<16xf32>
          %gt3A_440 = arith.constant 0.000000e+00 : f32
          %gt3A_441 = vector.broadcast %gt3A_440 : f32 to vector<16xf32>
          %gt3A_442 = arith.cmpf ogt, %sub3A_435, %gt3A_441 : vector<16xf32>
          %jit3A_443 = arith.constant 1.000000e+00 : f32
          %jit3A_444 = arith.constant 0.000000e+00 : f32
          %broadcast_in_dim3A_445 = vector.broadcast %jit3A_443 : f32 to vector<16xf32>
          %broadcast_in_dim3A_446 = vector.broadcast %jit3A_444 : f32 to vector<16xf32>
          %select_n3A_447 = arith.select %gt3A_442, %broadcast_in_dim3A_445, %broadcast_in_dim3A_446 : vector<16xi1>, vector<16xf32>
          %add3A_448 = arith.addf %while3A_374, %select_n3A_447 : vector<16xf32>
          %get3A_449 = arith.index_cast %while3A_362 : i32 to index
          %get3A_450 = arith.constant 64 : index
          %get3A_451 = tpu.vector_load %arg7[%get3A_449, %get3A_450] {strides = array<i32>} : memref<256x128xf32, #tpu.memory_space<vmem>>, vector<1x16xf32>,
          %get3A_452 = vector.shape_cast %get3A_451 : vector<1x16xf32> to vector<16xf32>
          %sub3A_453 = arith.subf %get3A_452, %scan3A_232 : vector<16xf32>
          %max3A_454 = arith.constant 0.000000e+00 : f32
          %max3A_455 = vector.broadcast %max3A_454 : f32 to vector<16xf32>
          %max3A_456 = arith.maximumf %sub3A_453, %max3A_455 : vector<16xf32>
          %add3A_457 = arith.addf %while3A_367, %max3A_456 : vector<16xf32>
          %gt3A_458 = arith.constant 0.000000e+00 : f32
          %gt3A_459 = vector.broadcast %gt3A_458 : f32 to vector<16xf32>
          %gt3A_460 = arith.cmpf ogt, %sub3A_453, %gt3A_459 : vector<16xf32>
          %jit3A_461 = arith.constant 1.000000e+00 : f32
          %jit3A_462 = arith.constant 0.000000e+00 : f32
          %broadcast_in_dim3A_463 = vector.broadcast %jit3A_461 : f32 to vector<16xf32>
          %broadcast_in_dim3A_464 = vector.broadcast %jit3A_462 : f32 to vector<16xf32>
          %select_n3A_465 = arith.select %gt3A_460, %broadcast_in_dim3A_463, %broadcast_in_dim3A_464 : vector<16xi1>, vector<16xf32>
          %add3A_466 = arith.addf %while3A_375, %select_n3A_465 : vector<16xf32>
          %get3A_467 = arith.index_cast %while3A_362 : i32 to index
          %get3A_468 = arith.constant 80 : index
          %get3A_469 = tpu.vector_load %arg7[%get3A_467, %get3A_468] {strides = array<i32>} : memref<256x128xf32, #tpu.memory_space<vmem>>, vector<1x16xf32>,
          %get3A_470 = vector.shape_cast %get3A_469 : vector<1x16xf32> to vector<16xf32>
          %sub3A_471 = arith.subf %get3A_470, %scan3A_232 : vector<16xf32>
          %max3A_472 = arith.constant 0.000000e+00 : f32
          %max3A_473 = vector.broadcast %max3A_472 : f32 to vector<16xf32>
          %max3A_474 = arith.maximumf %sub3A_471, %max3A_473 : vector<16xf32>
          %add3A_475 = arith.addf %while3A_368, %max3A_474 : vector<16xf32>
          %gt3A_476 = arith.constant 0.000000e+00 : f32
          %gt3A_477 = vector.broadcast %gt3A_476 : f32 to vector<16xf32>
          %gt3A_478 = arith.cmpf ogt, %sub3A_471, %gt3A_477 : vector<16xf32>
          %jit3A_479 = arith.constant 1.000000e+00 : f32
          %jit3A_480 = arith.constant 0.000000e+00 : f32
          %broadcast_in_dim3A_481 = vector.broadcast %jit3A_479 : f32 to vector<16xf32>
          %broadcast_in_dim3A_482 = vector.broadcast %jit3A_480 : f32 to vector<16xf32>
          %select_n3A_483 = arith.select %gt3A_478, %broadcast_in_dim3A_481, %broadcast_in_dim3A_482 : vector<16xi1>, vector<16xf32>
          %add3A_484 = arith.addf %while3A_376, %select_n3A_483 : vector<16xf32>
          %get3A_485 = arith.index_cast %while3A_362 : i32 to index
          %get3A_486 = arith.constant 96 : index
          %get3A_487 = tpu.vector_load %arg7[%get3A_485, %get3A_486] {strides = array<i32>} : memref<256x128xf32, #tpu.memory_space<vmem>>, vector<1x16xf32>,
          %get3A_488 = vector.shape_cast %get3A_487 : vector<1x16xf32> to vector<16xf32>
          %sub3A_489 = arith.subf %get3A_488, %scan3A_232 : vector<16xf32>
          %max3A_490 = arith.constant 0.000000e+00 : f32
          %max3A_491 = vector.broadcast %max3A_490 : f32 to vector<16xf32>
          %max3A_492 = arith.maximumf %sub3A_489, %max3A_491 : vector<16xf32>
          %add3A_493 = arith.addf %while3A_369, %max3A_492 : vector<16xf32>
          %gt3A_494 = arith.constant 0.000000e+00 : f32
          %gt3A_495 = vector.broadcast %gt3A_494 : f32 to vector<16xf32>
          %gt3A_496 = arith.cmpf ogt, %sub3A_489, %gt3A_495 : vector<16xf32>
          %jit3A_497 = arith.constant 1.000000e+00 : f32
          %jit3A_498 = arith.constant 0.000000e+00 : f32
          %broadcast_in_dim3A_499 = vector.broadcast %jit3A_497 : f32 to vector<16xf32>
          %broadcast_in_dim3A_500 = vector.broadcast %jit3A_498 : f32 to vector<16xf32>
          %select_n3A_501 = arith.select %gt3A_496, %broadcast_in_dim3A_499, %broadcast_in_dim3A_500 : vector<16xi1>, vector<16xf32>
          %add3A_502 = arith.addf %while3A_377, %select_n3A_501 : vector<16xf32>
          %get3A_503 = arith.index_cast %while3A_362 : i32 to index
          %get3A_504 = arith.constant 112 : index
          %get3A_505 = tpu.vector_load %arg7[%get3A_503, %get3A_504] {strides = array<i32>} : memref<256x128xf32, #tpu.memory_space<vmem>>, vector<1x16xf32>,
          %get3A_506 = vector.shape_cast %get3A_505 : vector<1x16xf32> to vector<16xf32>
          %sub3A_507 = arith.subf %get3A_506, %scan3A_232 : vector<16xf32>
          %max3A_508 = arith.constant 0.000000e+00 : f32
          %max3A_509 = vector.broadcast %max3A_508 : f32 to vector<16xf32>
          %max3A_510 = arith.maximumf %sub3A_507, %max3A_509 : vector<16xf32>
          %add3A_511 = arith.addf %while3A_370, %max3A_510 : vector<16xf32>
          %gt3A_512 = arith.constant 0.000000e+00 : f32
          %gt3A_513 = vector.broadcast %gt3A_512 : f32 to vector<16xf32>
          %gt3A_514 = arith.cmpf ogt, %sub3A_507, %gt3A_513 : vector<16xf32>
          %jit3A_515 = arith.constant 1.000000e+00 : f32
          %jit3A_516 = arith.constant 0.000000e+00 : f32
          %broadcast_in_dim3A_517 = vector.broadcast %jit3A_515 : f32 to vector<16xf32>
          %broadcast_in_dim3A_518 = vector.broadcast %jit3A_516 : f32 to vector<16xf32>
          %select_n3A_519 = arith.select %gt3A_514, %broadcast_in_dim3A_517, %broadcast_in_dim3A_518 : vector<16xi1>, vector<16xf32>
          %add3A_520 = arith.addf %while3A_378, %select_n3A_519 : vector<16xf32>
          scf.yield %add3A_386, %add3A_403, %add3A_421, %add3A_439, %add3A_457, %add3A_475, %add3A_493, %add3A_511, %add3A_394, %add3A_412, %add3A_430, %add3A_448, %add3A_466, %add3A_484, %add3A_502, %add3A_520 : vector<16xf32>, vector<16xf32>, vector<16xf32>, vector<16xf32>, vector<16xf32>, vector<16xf32>, vector<16xf32>, vector<16xf32>, vector<16xf32>, vector<16xf32>, vector<16xf32>, vector<16xf32>, vector<16xf32>, vector<16xf32>, vector<16xf32>, vector<16xf32>
        }
        %while3A_243 = arith.constant 1 : i32
        %while3A_244:16 = scf.for %while3A_362 = %while3A_240 to %while3A_236 step %while3A_243 iter_args(%while3A_363 = %while3A_242#0, %while3A_364 = %while3A_242#1, %while3A_365 = %while3A_242#2, %while3A_366 = %while3A_242#3, %while3A_367 = %while3A_242#4, %while3A_368 = %while3A_242#5, %while3A_369 = %while3A_242#6, %while3A_370 = %while3A_242#7, %while3A_371 = %while3A_242#8, %while3A_372 = %while3A_242#9, %while3A_373 = %while3A_242#10, %while3A_374 = %while3A_242#11, %while3A_375 = %while3A_242#12, %while3A_376 = %while3A_242#13, %while3A_377 = %while3A_242#14, %while3A_378 = %while3A_242#15) -> (vector<16xf32>, vector<16xf32>, vector<16xf32>, vector<16xf32>, vector<16xf32>, vector<16xf32>, vector<16xf32>, vector<16xf32>, vector<16xf32>, vector<16xf32>, vector<16xf32>, vector<16xf32>, vector<16xf32>, vector<16xf32>, vector<16xf32>, vector<16xf32>)  : i32 {
          %get3A = arith.index_cast %while3A_362 : i32 to index
          %get3A_379 = arith.constant 0 : index
          %get3A_380 = tpu.vector_load %arg7[%get3A, %get3A_379] {strides = array<i32>} : memref<256x128xf32, #tpu.memory_space<vmem>>, vector<1x16xf32>,
          %get3A_381 = vector.shape_cast %get3A_380 : vector<1x16xf32> to vector<16xf32>
          %sub3A_382 = arith.subf %get3A_381, %scan3A_232 : vector<16xf32>
          %max3A_383 = arith.constant 0.000000e+00 : f32
          %max3A_384 = vector.broadcast %max3A_383 : f32 to vector<16xf32>
          %max3A_385 = arith.maximumf %sub3A_382, %max3A_384 : vector<16xf32>
          %add3A_386 = arith.addf %while3A_363, %max3A_385 : vector<16xf32>
          %gt3A_387 = arith.constant 0.000000e+00 : f32
          %gt3A_388 = vector.broadcast %gt3A_387 : f32 to vector<16xf32>
          %gt3A_389 = arith.cmpf ogt, %sub3A_382, %gt3A_388 : vector<16xf32>
          %jit3A = arith.constant 1.000000e+00 : f32
          %jit3A_390 = arith.constant 0.000000e+00 : f32
          %broadcast_in_dim3A_391 = vector.broadcast %jit3A : f32 to vector<16xf32>
          %broadcast_in_dim3A_392 = vector.broadcast %jit3A_390 : f32 to vector<16xf32>
          %select_n3A_393 = arith.select %gt3A_389, %broadcast_in_dim3A_391, %broadcast_in_dim3A_392 : vector<16xi1>, vector<16xf32>
          %add3A_394 = arith.addf %while3A_371, %select_n3A_393 : vector<16xf32>
          %get3A_395 = arith.index_cast %while3A_362 : i32 to index
          %get3A_396 = arith.constant 16 : index
          %get3A_397 = tpu.vector_load %arg7[%get3A_395, %get3A_396] {strides = array<i32>} : memref<256x128xf32, #tpu.memory_space<vmem>>, vector<1x16xf32>,
          %get3A_398 = vector.shape_cast %get3A_397 : vector<1x16xf32> to vector<16xf32>
          %sub3A_399 = arith.subf %get3A_398, %scan3A_232 : vector<16xf32>
          %max3A_400 = arith.constant 0.000000e+00 : f32
          %max3A_401 = vector.broadcast %max3A_400 : f32 to vector<16xf32>
          %max3A_402 = arith.maximumf %sub3A_399, %max3A_401 : vector<16xf32>
          %add3A_403 = arith.addf %while3A_364, %max3A_402 : vector<16xf32>
          %gt3A_404 = arith.constant 0.000000e+00 : f32
          %gt3A_405 = vector.broadcast %gt3A_404 : f32 to vector<16xf32>
          %gt3A_406 = arith.cmpf ogt, %sub3A_399, %gt3A_405 : vector<16xf32>
          %jit3A_407 = arith.constant 1.000000e+00 : f32
          %jit3A_408 = arith.constant 0.000000e+00 : f32
          %broadcast_in_dim3A_409 = vector.broadcast %jit3A_407 : f32 to vector<16xf32>
          %broadcast_in_dim3A_410 = vector.broadcast %jit3A_408 : f32 to vector<16xf32>
          %select_n3A_411 = arith.select %gt3A_406, %broadcast_in_dim3A_409, %broadcast_in_dim3A_410 : vector<16xi1>, vector<16xf32>
          %add3A_412 = arith.addf %while3A_372, %select_n3A_411 : vector<16xf32>
          %get3A_413 = arith.index_cast %while3A_362 : i32 to index
          %get3A_414 = arith.constant 32 : index
          %get3A_415 = tpu.vector_load %arg7[%get3A_413, %get3A_414] {strides = array<i32>} : memref<256x128xf32, #tpu.memory_space<vmem>>, vector<1x16xf32>,
          %get3A_416 = vector.shape_cast %get3A_415 : vector<1x16xf32> to vector<16xf32>
          %sub3A_417 = arith.subf %get3A_416, %scan3A_232 : vector<16xf32>
          %max3A_418 = arith.constant 0.000000e+00 : f32
          %max3A_419 = vector.broadcast %max3A_418 : f32 to vector<16xf32>
          %max3A_420 = arith.maximumf %sub3A_417, %max3A_419 : vector<16xf32>
          %add3A_421 = arith.addf %while3A_365, %max3A_420 : vector<16xf32>
          %gt3A_422 = arith.constant 0.000000e+00 : f32
          %gt3A_423 = vector.broadcast %gt3A_422 : f32 to vector<16xf32>
          %gt3A_424 = arith.cmpf ogt, %sub3A_417, %gt3A_423 : vector<16xf32>
          %jit3A_425 = arith.constant 1.000000e+00 : f32
          %jit3A_426 = arith.constant 0.000000e+00 : f32
          %broadcast_in_dim3A_427 = vector.broadcast %jit3A_425 : f32 to vector<16xf32>
          %broadcast_in_dim3A_428 = vector.broadcast %jit3A_426 : f32 to vector<16xf32>
          %select_n3A_429 = arith.select %gt3A_424, %broadcast_in_dim3A_427, %broadcast_in_dim3A_428 : vector<16xi1>, vector<16xf32>
          %add3A_430 = arith.addf %while3A_373, %select_n3A_429 : vector<16xf32>
          %get3A_431 = arith.index_cast %while3A_362 : i32 to index
          %get3A_432 = arith.constant 48 : index
          %get3A_433 = tpu.vector_load %arg7[%get3A_431, %get3A_432] {strides = array<i32>} : memref<256x128xf32, #tpu.memory_space<vmem>>, vector<1x16xf32>,
          %get3A_434 = vector.shape_cast %get3A_433 : vector<1x16xf32> to vector<16xf32>
          %sub3A_435 = arith.subf %get3A_434, %scan3A_232 : vector<16xf32>
          %max3A_436 = arith.constant 0.000000e+00 : f32
          %max3A_437 = vector.broadcast %max3A_436 : f32 to vector<16xf32>
          %max3A_438 = arith.maximumf %sub3A_435, %max3A_437 : vector<16xf32>
          %add3A_439 = arith.addf %while3A_366, %max3A_438 : vector<16xf32>
          %gt3A_440 = arith.constant 0.000000e+00 : f32
          %gt3A_441 = vector.broadcast %gt3A_440 : f32 to vector<16xf32>
          %gt3A_442 = arith.cmpf ogt, %sub3A_435, %gt3A_441 : vector<16xf32>
          %jit3A_443 = arith.constant 1.000000e+00 : f32
          %jit3A_444 = arith.constant 0.000000e+00 : f32
          %broadcast_in_dim3A_445 = vector.broadcast %jit3A_443 : f32 to vector<16xf32>
          %broadcast_in_dim3A_446 = vector.broadcast %jit3A_444 : f32 to vector<16xf32>
          %select_n3A_447 = arith.select %gt3A_442, %broadcast_in_dim3A_445, %broadcast_in_dim3A_446 : vector<16xi1>, vector<16xf32>
          %add3A_448 = arith.addf %while3A_374, %select_n3A_447 : vector<16xf32>
          %get3A_449 = arith.index_cast %while3A_362 : i32 to index
          %get3A_450 = arith.constant 64 : index
          %get3A_451 = tpu.vector_load %arg7[%get3A_449, %get3A_450] {strides = array<i32>} : memref<256x128xf32, #tpu.memory_space<vmem>>, vector<1x16xf32>,
          %get3A_452 = vector.shape_cast %get3A_451 : vector<1x16xf32> to vector<16xf32>
          %sub3A_453 = arith.subf %get3A_452, %scan3A_232 : vector<16xf32>
          %max3A_454 = arith.constant 0.000000e+00 : f32
          %max3A_455 = vector.broadcast %max3A_454 : f32 to vector<16xf32>
          %max3A_456 = arith.maximumf %sub3A_453, %max3A_455 : vector<16xf32>
          %add3A_457 = arith.addf %while3A_367, %max3A_456 : vector<16xf32>
          %gt3A_458 = arith.constant 0.000000e+00 : f32
          %gt3A_459 = vector.broadcast %gt3A_458 : f32 to vector<16xf32>
          %gt3A_460 = arith.cmpf ogt, %sub3A_453, %gt3A_459 : vector<16xf32>
          %jit3A_461 = arith.constant 1.000000e+00 : f32
          %jit3A_462 = arith.constant 0.000000e+00 : f32
          %broadcast_in_dim3A_463 = vector.broadcast %jit3A_461 : f32 to vector<16xf32>
          %broadcast_in_dim3A_464 = vector.broadcast %jit3A_462 : f32 to vector<16xf32>
          %select_n3A_465 = arith.select %gt3A_460, %broadcast_in_dim3A_463, %broadcast_in_dim3A_464 : vector<16xi1>, vector<16xf32>
          %add3A_466 = arith.addf %while3A_375, %select_n3A_465 : vector<16xf32>
          %get3A_467 = arith.index_cast %while3A_362 : i32 to index
          %get3A_468 = arith.constant 80 : index
          %get3A_469 = tpu.vector_load %arg7[%get3A_467, %get3A_468] {strides = array<i32>} : memref<256x128xf32, #tpu.memory_space<vmem>>, vector<1x16xf32>,
          %get3A_470 = vector.shape_cast %get3A_469 : vector<1x16xf32> to vector<16xf32>
          %sub3A_471 = arith.subf %get3A_470, %scan3A_232 : vector<16xf32>
          %max3A_472 = arith.constant 0.000000e+00 : f32
          %max3A_473 = vector.broadcast %max3A_472 : f32 to vector<16xf32>
          %max3A_474 = arith.maximumf %sub3A_471, %max3A_473 : vector<16xf32>
          %add3A_475 = arith.addf %while3A_368, %max3A_474 : vector<16xf32>
          %gt3A_476 = arith.constant 0.000000e+00 : f32
          %gt3A_477 = vector.broadcast %gt3A_476 : f32 to vector<16xf32>
          %gt3A_478 = arith.cmpf ogt, %sub3A_471, %gt3A_477 : vector<16xf32>
          %jit3A_479 = arith.constant 1.000000e+00 : f32
          %jit3A_480 = arith.constant 0.000000e+00 : f32
          %broadcast_in_dim3A_481 = vector.broadcast %jit3A_479 : f32 to vector<16xf32>
          %broadcast_in_dim3A_482 = vector.broadcast %jit3A_480 : f32 to vector<16xf32>
          %select_n3A_483 = arith.select %gt3A_478, %broadcast_in_dim3A_481, %broadcast_in_dim3A_482 : vector<16xi1>, vector<16xf32>
          %add3A_484 = arith.addf %while3A_376, %select_n3A_483 : vector<16xf32>
          %get3A_485 = arith.index_cast %while3A_362 : i32 to index
          %get3A_486 = arith.constant 96 : index
          %get3A_487 = tpu.vector_load %arg7[%get3A_485, %get3A_486] {strides = array<i32>} : memref<256x128xf32, #tpu.memory_space<vmem>>, vector<1x16xf32>,
          %get3A_488 = vector.shape_cast %get3A_487 : vector<1x16xf32> to vector<16xf32>
          %sub3A_489 = arith.subf %get3A_488, %scan3A_232 : vector<16xf32>
          %max3A_490 = arith.constant 0.000000e+00 : f32
          %max3A_491 = vector.broadcast %max3A_490 : f32 to vector<16xf32>
          %max3A_492 = arith.maximumf %sub3A_489, %max3A_491 : vector<16xf32>
          %add3A_493 = arith.addf %while3A_369, %max3A_492 : vector<16xf32>
          %gt3A_494 = arith.constant 0.000000e+00 : f32
          %gt3A_495 = vector.broadcast %gt3A_494 : f32 to vector<16xf32>
          %gt3A_496 = arith.cmpf ogt, %sub3A_489, %gt3A_495 : vector<16xf32>
          %jit3A_497 = arith.constant 1.000000e+00 : f32
          %jit3A_498 = arith.constant 0.000000e+00 : f32
          %broadcast_in_dim3A_499 = vector.broadcast %jit3A_497 : f32 to vector<16xf32>
          %broadcast_in_dim3A_500 = vector.broadcast %jit3A_498 : f32 to vector<16xf32>
          %select_n3A_501 = arith.select %gt3A_496, %broadcast_in_dim3A_499, %broadcast_in_dim3A_500 : vector<16xi1>, vector<16xf32>
          %add3A_502 = arith.addf %while3A_377, %select_n3A_501 : vector<16xf32>
          %get3A_503 = arith.index_cast %while3A_362 : i32 to index
          %get3A_504 = arith.constant 112 : index
          %get3A_505 = tpu.vector_load %arg7[%get3A_503, %get3A_504] {strides = array<i32>} : memref<256x128xf32, #tpu.memory_space<vmem>>, vector<1x16xf32>,
          %get3A_506 = vector.shape_cast %get3A_505 : vector<1x16xf32> to vector<16xf32>
          %sub3A_507 = arith.subf %get3A_506, %scan3A_232 : vector<16xf32>
          %max3A_508 = arith.constant 0.000000e+00 : f32
          %max3A_509 = vector.broadcast %max3A_508 : f32 to vector<16xf32>
          %max3A_510 = arith.maximumf %sub3A_507, %max3A_509 : vector<16xf32>
          %add3A_511 = arith.addf %while3A_370, %max3A_510 : vector<16xf32>
          %gt3A_512 = arith.constant 0.000000e+00 : f32
          %gt3A_513 = vector.broadcast %gt3A_512 : f32 to vector<16xf32>
          %gt3A_514 = arith.cmpf ogt, %sub3A_507, %gt3A_513 : vector<16xf32>
          %jit3A_515 = arith.constant 1.000000e+00 : f32
          %jit3A_516 = arith.constant 0.000000e+00 : f32
          %broadcast_in_dim3A_517 = vector.broadcast %jit3A_515 : f32 to vector<16xf32>
          %broadcast_in_dim3A_518 = vector.broadcast %jit3A_516 : f32 to vector<16xf32>
          %select_n3A_519 = arith.select %gt3A_514, %broadcast_in_dim3A_517, %broadcast_in_dim3A_518 : vector<16xi1>, vector<16xf32>
          %add3A_520 = arith.addf %while3A_378, %select_n3A_519 : vector<16xf32>
          scf.yield %add3A_386, %add3A_403, %add3A_421, %add3A_439, %add3A_457, %add3A_475, %add3A_493, %add3A_511, %add3A_394, %add3A_412, %add3A_430, %add3A_448, %add3A_466, %add3A_484, %add3A_502, %add3A_520 : vector<16xf32>, vector<16xf32>, vector<16xf32>, vector<16xf32>, vector<16xf32>, vector<16xf32>, vector<16xf32>, vector<16xf32>, vector<16xf32>, vector<16xf32>, vector<16xf32>, vector<16xf32>, vector<16xf32>, vector<16xf32>, vector<16xf32>, vector<16xf32>
        }
        %add3A_245 = arith.addf %while3A_244#0, %while3A_244#1 : vector<16xf32>
        %add3A_246 = arith.addf %while3A_244#8, %while3A_244#9 : vector<16xf32>
        %add3A_247 = arith.addf %add3A_245, %while3A_244#2 : vector<16xf32>
        %add3A_248 = arith.addf %add3A_246, %while3A_244#10 : vector<16xf32>
        %add3A_249 = arith.addf %add3A_247, %while3A_244#3 : vector<16xf32>
        %add3A_250 = arith.addf %add3A_248, %while3A_244#11 : vector<16xf32>
        %add3A_251 = arith.addf %add3A_249, %while3A_244#4 : vector<16xf32>
        %add3A_252 = arith.addf %add3A_250, %while3A_244#12 : vector<16xf32>
        %add3A_253 = arith.addf %add3A_251, %while3A_244#5 : vector<16xf32>
        %add3A_254 = arith.addf %add3A_252, %while3A_244#13 : vector<16xf32>
        %add3A_255 = arith.addf %add3A_253, %while3A_244#6 : vector<16xf32>
        %add3A_256 = arith.addf %add3A_254, %while3A_244#14 : vector<16xf32>
        %add3A_257 = arith.addf %add3A_255, %while3A_244#7 : vector<16xf32>
        %add3A_258 = arith.addf %add3A_256, %while3A_244#15 : vector<16xf32>
        %slice3A_259 = vector.extract_strided_slice %add3A_257 {offsets = [0], sizes = [1], strides = [1]} : vector<16xf32> to vector<1xf32>
        %squeeze3A_260 = vector.extract %slice3A_259[0] : f32 from vector<1xf32>
        %slice3A_261 = vector.extract_strided_slice %add3A_257 {offsets = [1], sizes = [1], strides = [1]} : vector<16xf32> to vector<1xf32>
        %squeeze3A_262 = vector.extract %slice3A_261[0] : f32 from vector<1xf32>
        %add3A_263 = arith.addf %squeeze3A_260, %squeeze3A_262 : f32
        %slice3A_264 = vector.extract_strided_slice %add3A_257 {offsets = [2], sizes = [1], strides = [1]} : vector<16xf32> to vector<1xf32>
        %squeeze3A_265 = vector.extract %slice3A_264[0] : f32 from vector<1xf32>
        %add3A_266 = arith.addf %add3A_263, %squeeze3A_265 : f32
        %slice3A_267 = vector.extract_strided_slice %add3A_257 {offsets = [3], sizes = [1], strides = [1]} : vector<16xf32> to vector<1xf32>
        %squeeze3A_268 = vector.extract %slice3A_267[0] : f32 from vector<1xf32>
        %add3A_269 = arith.addf %add3A_266, %squeeze3A_268 : f32
        %slice3A_270 = vector.extract_strided_slice %add3A_257 {offsets = [4], sizes = [1], strides = [1]} : vector<16xf32> to vector<1xf32>
        %squeeze3A_271 = vector.extract %slice3A_270[0] : f32 from vector<1xf32>
        %add3A_272 = arith.addf %add3A_269, %squeeze3A_271 : f32
        %slice3A_273 = vector.extract_strided_slice %add3A_257 {offsets = [5], sizes = [1], strides = [1]} : vector<16xf32> to vector<1xf32>
        %squeeze3A_274 = vector.extract %slice3A_273[0] : f32 from vector<1xf32>
        %add3A_275 = arith.addf %add3A_272, %squeeze3A_274 : f32
        %slice3A_276 = vector.extract_strided_slice %add3A_257 {offsets = [6], sizes = [1], strides = [1]} : vector<16xf32> to vector<1xf32>
        %squeeze3A_277 = vector.extract %slice3A_276[0] : f32 from vector<1xf32>
        %add3A_278 = arith.addf %add3A_275, %squeeze3A_277 : f32
        %slice3A_279 = vector.extract_strided_slice %add3A_257 {offsets = [7], sizes = [1], strides = [1]} : vector<16xf32> to vector<1xf32>
        %squeeze3A_280 = vector.extract %slice3A_279[0] : f32 from vector<1xf32>
        %add3A_281 = arith.addf %add3A_278, %squeeze3A_280 : f32
        %slice3A_282 = vector.extract_strided_slice %add3A_257 {offsets = [8], sizes = [1], strides = [1]} : vector<16xf32> to vector<1xf32>
        %squeeze3A_283 = vector.extract %slice3A_282[0] : f32 from vector<1xf32>
        %add3A_284 = arith.addf %add3A_281, %squeeze3A_283 : f32
        %slice3A_285 = vector.extract_strided_slice %add3A_257 {offsets = [9], sizes = [1], strides = [1]} : vector<16xf32> to vector<1xf32>
        %squeeze3A_286 = vector.extract %slice3A_285[0] : f32 from vector<1xf32>
        %add3A_287 = arith.addf %add3A_284, %squeeze3A_286 : f32
        %slice3A_288 = vector.extract_strided_slice %add3A_257 {offsets = [10], sizes = [1], strides = [1]} : vector<16xf32> to vector<1xf32>
        %squeeze3A_289 = vector.extract %slice3A_288[0] : f32 from vector<1xf32>
        %add3A_290 = arith.addf %add3A_287, %squeeze3A_289 : f32
        %slice3A_291 = vector.extract_strided_slice %add3A_257 {offsets = [11], sizes = [1], strides = [1]} : vector<16xf32> to vector<1xf32>
        %squeeze3A_292 = vector.extract %slice3A_291[0] : f32 from vector<1xf32>
        %add3A_293 = arith.addf %add3A_290, %squeeze3A_292 : f32
        %slice3A_294 = vector.extract_strided_slice %add3A_257 {offsets = [12], sizes = [1], strides = [1]} : vector<16xf32> to vector<1xf32>
        %squeeze3A_295 = vector.extract %slice3A_294[0] : f32 from vector<1xf32>
        %add3A_296 = arith.addf %add3A_293, %squeeze3A_295 : f32
        %slice3A_297 = vector.extract_strided_slice %add3A_257 {offsets = [13], sizes = [1], strides = [1]} : vector<16xf32> to vector<1xf32>
        %squeeze3A_298 = vector.extract %slice3A_297[0] : f32 from vector<1xf32>
        %add3A_299 = arith.addf %add3A_296, %squeeze3A_298 : f32
        %slice3A_300 = vector.extract_strided_slice %add3A_257 {offsets = [14], sizes = [1], strides = [1]} : vector<16xf32> to vector<1xf32>
        %squeeze3A_301 = vector.extract %slice3A_300[0] : f32 from vector<1xf32>
        %add3A_302 = arith.addf %add3A_299, %squeeze3A_301 : f32
        %slice3A_303 = vector.extract_strided_slice %add3A_257 {offsets = [15], sizes = [1], strides = [1]} : vector<16xf32> to vector<1xf32>
        %squeeze3A_304 = vector.extract %slice3A_303[0] : f32 from vector<1xf32>
        %add3A_305 = arith.addf %add3A_302, %squeeze3A_304 : f32
        %broadcast_in_dim3A_306 = vector.broadcast %add3A_305 : f32 to vector<16xf32>
        %slice3A_307 = vector.extract_strided_slice %add3A_258 {offsets = [0], sizes = [1], strides = [1]} : vector<16xf32> to vector<1xf32>
        %squeeze3A_308 = vector.extract %slice3A_307[0] : f32 from vector<1xf32>
        %slice3A_309 = vector.extract_strided_slice %add3A_258 {offsets = [1], sizes = [1], strides = [1]} : vector<16xf32> to vector<1xf32>
        %squeeze3A_310 = vector.extract %slice3A_309[0] : f32 from vector<1xf32>
        %add3A_311 = arith.addf %squeeze3A_308, %squeeze3A_310 : f32
        %slice3A_312 = vector.extract_strided_slice %add3A_258 {offsets = [2], sizes = [1], strides = [1]} : vector<16xf32> to vector<1xf32>
        %squeeze3A_313 = vector.extract %slice3A_312[0] : f32 from vector<1xf32>
        %add3A_314 = arith.addf %add3A_311, %squeeze3A_313 : f32
        %slice3A_315 = vector.extract_strided_slice %add3A_258 {offsets = [3], sizes = [1], strides = [1]} : vector<16xf32> to vector<1xf32>
        %squeeze3A_316 = vector.extract %slice3A_315[0] : f32 from vector<1xf32>
        %add3A_317 = arith.addf %add3A_314, %squeeze3A_316 : f32
        %slice3A_318 = vector.extract_strided_slice %add3A_258 {offsets = [4], sizes = [1], strides = [1]} : vector<16xf32> to vector<1xf32>
        %squeeze3A_319 = vector.extract %slice3A_318[0] : f32 from vector<1xf32>
        %add3A_320 = arith.addf %add3A_317, %squeeze3A_319 : f32
        %slice3A_321 = vector.extract_strided_slice %add3A_258 {offsets = [5], sizes = [1], strides = [1]} : vector<16xf32> to vector<1xf32>
        %squeeze3A_322 = vector.extract %slice3A_321[0] : f32 from vector<1xf32>
        %add3A_323 = arith.addf %add3A_320, %squeeze3A_322 : f32
        %slice3A_324 = vector.extract_strided_slice %add3A_258 {offsets = [6], sizes = [1], strides = [1]} : vector<16xf32> to vector<1xf32>
        %squeeze3A_325 = vector.extract %slice3A_324[0] : f32 from vector<1xf32>
        %add3A_326 = arith.addf %add3A_323, %squeeze3A_325 : f32
        %slice3A_327 = vector.extract_strided_slice %add3A_258 {offsets = [7], sizes = [1], strides = [1]} : vector<16xf32> to vector<1xf32>
        %squeeze3A_328 = vector.extract %slice3A_327[0] : f32 from vector<1xf32>
        %add3A_329 = arith.addf %add3A_326, %squeeze3A_328 : f32
        %slice3A_330 = vector.extract_strided_slice %add3A_258 {offsets = [8], sizes = [1], strides = [1]} : vector<16xf32> to vector<1xf32>
        %squeeze3A_331 = vector.extract %slice3A_330[0] : f32 from vector<1xf32>
        %add3A_332 = arith.addf %add3A_329, %squeeze3A_331 : f32
        %slice3A_333 = vector.extract_strided_slice %add3A_258 {offsets = [9], sizes = [1], strides = [1]} : vector<16xf32> to vector<1xf32>
        %squeeze3A_334 = vector.extract %slice3A_333[0] : f32 from vector<1xf32>
        %add3A_335 = arith.addf %add3A_332, %squeeze3A_334 : f32
        %slice3A_336 = vector.extract_strided_slice %add3A_258 {offsets = [10], sizes = [1], strides = [1]} : vector<16xf32> to vector<1xf32>
        %squeeze3A_337 = vector.extract %slice3A_336[0] : f32 from vector<1xf32>
        %add3A_338 = arith.addf %add3A_335, %squeeze3A_337 : f32
        %slice3A_339 = vector.extract_strided_slice %add3A_258 {offsets = [11], sizes = [1], strides = [1]} : vector<16xf32> to vector<1xf32>
        %squeeze3A_340 = vector.extract %slice3A_339[0] : f32 from vector<1xf32>
        %add3A_341 = arith.addf %add3A_338, %squeeze3A_340 : f32
        %slice3A_342 = vector.extract_strided_slice %add3A_258 {offsets = [12], sizes = [1], strides = [1]} : vector<16xf32> to vector<1xf32>
        %squeeze3A_343 = vector.extract %slice3A_342[0] : f32 from vector<1xf32>
        %add3A_344 = arith.addf %add3A_341, %squeeze3A_343 : f32
        %slice3A_345 = vector.extract_strided_slice %add3A_258 {offsets = [13], sizes = [1], strides = [1]} : vector<16xf32> to vector<1xf32>
        %squeeze3A_346 = vector.extract %slice3A_345[0] : f32 from vector<1xf32>
        %add3A_347 = arith.addf %add3A_344, %squeeze3A_346 : f32
        %slice3A_348 = vector.extract_strided_slice %add3A_258 {offsets = [14], sizes = [1], strides = [1]} : vector<16xf32> to vector<1xf32>
        %squeeze3A_349 = vector.extract %slice3A_348[0] : f32 from vector<1xf32>
        %add3A_350 = arith.addf %add3A_347, %squeeze3A_349 : f32
        %slice3A_351 = vector.extract_strided_slice %add3A_258 {offsets = [15], sizes = [1], strides = [1]} : vector<16xf32> to vector<1xf32>
        %squeeze3A_352 = vector.extract %slice3A_351[0] : f32 from vector<1xf32>
        %add3A_353 = arith.addf %add3A_350, %squeeze3A_352 : f32
        %broadcast_in_dim3A_354 = vector.broadcast %add3A_353 : f32 to vector<16xf32>
        %sub3A_355 = arith.constant 1.000000e+00 : f32
        %sub3A_356 = vector.broadcast %sub3A_355 : f32 to vector<16xf32>
        %sub3A_357 = arith.subf %broadcast_in_dim3A_306, %sub3A_356 : vector<16xf32>
        %max3A_358 = arith.constant 1.000000e+00 : f32
        %max3A_359 = vector.broadcast %max3A_358 : f32 to vector<16xf32>
        %max3A_360 = arith.maximumf %broadcast_in_dim3A_354, %max3A_359 : vector<16xf32>
        %div3A = arith.divf %sub3A_357, %max3A_360 : vector<16xf32>
        %add3A_361 = arith.addf %scan3A_232, %div3A : vector<16xf32>
        scf.yield %add3A_361 : vector<16xf32>
      }
      %scan3A_229 = arith.constant 12 : i32
      %eq3A = vector.broadcast %scan3A_120 : i32 to vector<16xi32>
      %eq3A_230 = arith.cmpi eq, %iota3A, %eq3A : vector<16xi32>
      %select_n3A = arith.select %eq3A_230, %scan3A_228, %scan3A_121 : vector<16xi1>, vector<16xf32>
      scf.yield %select_n3A : vector<16xf32>
    }
    %scan3A_115 = arith.constant 4 : i32
    %swap3A_116 = arith.constant 0 : index
    %swap3A_117 = tpu.vector_load %arg8[%swap3A_116] {strides = array<i32>} : memref<16xf32, #tpu.memory_space<vmem>>, vector<16xf32>,
    %swap3A_118 = vector.shape_cast %swap3A_117 : vector<16xf32> to vector<16xf32>
    %swap3A_119 = vector.shape_cast %scan3A_114 : vector<16xf32> to vector<16xf32>
    tpu.vector_store %arg8[%swap3A_116], %swap3A_119 {strides = array<i32>} : memref<16xf32, #tpu.memory_space<vmem>>, vector<16xf32>,
    "tpu.region"() ({
      %run_scoped3A = tpu.sem_alloc : memref<!tpu.dma_semaphore, #tpu.memory_space<semaphore_mem>>
      %dma_start3A_120 = arith.constant 0 : i32
      %dma_start3A_121 = tpu.memref_slice %arg4[%add3A, %dma_start3A_120] : memref<32x16xf32, #tpu.memory_space<hbm>> -> memref<1x16xf32, #tpu.memory_space<hbm>>
      %dma_start3A_122 = tpu.memref_squeeze %dma_start3A_121 : memref<1x16xf32, #tpu.memory_space<hbm>> -> memref<16xf32, #tpu.memory_space<hbm>>
      %dma_start3A_123 = arith.constant 0 : i32
      %dma_start3A_124 = tpu.memref_slice %arg4[%add3A, %dma_start3A_123] : memref<32x16xf32, #tpu.memory_space<hbm>> -> memref<1x16xf32, #tpu.memory_space<hbm>>
      %dma_start3A_125 = tpu.memref_squeeze %dma_start3A_124 : memref<1x16xf32, #tpu.memory_space<hbm>> -> memref<16xf32, #tpu.memory_space<hbm>>
      tpu.enqueue_dma source(%arg8 : memref<16xf32, #tpu.memory_space<vmem>>) target(%dma_start3A_125 : memref<16xf32, #tpu.memory_space<hbm>>) target_semaphore(%run_scoped3A : memref<!tpu.dma_semaphore, #tpu.memory_space<semaphore_mem>>)
      %dma_wait3A_126 = arith.constant 0 : i32
      %dma_wait3A_127 = tpu.memref_slice %arg4[%add3A, %dma_wait3A_126] : memref<32x16xf32, #tpu.memory_space<hbm>> -> memref<1x16xf32, #tpu.memory_space<hbm>>
      %dma_wait3A_128 = tpu.memref_squeeze %dma_wait3A_127 : memref<1x16xf32, #tpu.memory_space<hbm>> -> memref<16xf32, #tpu.memory_space<hbm>>
      %dma_wait3A_129 = arith.constant 0 : i32
      %dma_wait3A_130 = tpu.memref_slice %arg4[%add3A, %dma_wait3A_129] : memref<32x16xf32, #tpu.memory_space<hbm>> -> memref<1x16xf32, #tpu.memory_space<hbm>>
      %dma_wait3A_131 = tpu.memref_squeeze %dma_wait3A_130 : memref<1x16xf32, #tpu.memory_space<hbm>> -> memref<16xf32, #tpu.memory_space<hbm>>
      tpu.wait_dma2 semaphore(%run_scoped3A : memref<!tpu.dma_semaphore, #tpu.memory_space<semaphore_mem>>) src(%arg8 : memref<16xf32, #tpu.memory_space<vmem>>) dst(%dma_wait3A_131 : memref<16xf32, #tpu.memory_space<hbm>>)
      tpu.yield
    }) : () -> ()
    return
  }
}

module attributes {stable_mosaic.version = 14 : i64} {
  func.func @_blockmax_kernel(%arg0: memref<128x32768xf32, #tpu.memory_space<vmem>>, %arg1: memref<128x256xf32, #tpu.memory_space<vmem>>) attributes {dimension_semantics = [], scalar_prefetch = 0 : i64, scratch_operands = 0 : i64, tpu.core_type = #tpu.core_type<tc>} {
    %get3A = arith.constant 0 : index
    %get3A_0 = arith.constant 0 : index
    %get3A_1 = vector.load %arg0[%get3A, %get3A_0] : memref<128x32768xf32, #tpu.memory_space<vmem>>, vector<128x32768xf32>
    %reshape3A = vector.shape_cast %get3A_1 : vector<128x32768xf32> to vector<128x256x128xf32>
    %reduce_max3A = arith.constant dense<0xFF800000> : vector<128x256xf32>
    %reduce_max3A_2 = vector.multi_reduction <maximumf>, %reshape3A, %reduce_max3A [2] : vector<128x256x128xf32> to vector<128x256xf32>
    %swap3A = arith.constant 0 : index
    %swap3A_3 = arith.constant 0 : index
    %swap3A_4 = vector.load %arg1[%swap3A, %swap3A_3] : memref<128x256xf32, #tpu.memory_space<vmem>>, vector<128x256xf32>
    tpu.vector_store %arg1[%swap3A, %swap3A_3], %reduce_max3A_2 {strides = array<i32>} : memref<128x256xf32, #tpu.memory_space<vmem>>, vector<128x256xf32>,
    return
  }
}

module attributes {stable_mosaic.version = 14 : i64} {
  func.func @_clip_mean_kernel(%arg0: memref<128x32768xf32, #tpu.memory_space<vmem>>, %arg1: memref<128x1xf32, #tpu.memory_space<vmem>>, %arg2: memref<128x32768xf32, #tpu.memory_space<vmem>>) attributes {dimension_semantics = [], scalar_prefetch = 0 : i64, scratch_operands = 0 : i64, tpu.core_type = #tpu.core_type<tc>} {
    %get3A = arith.constant 0 : index
    %get3A_0 = arith.constant 0 : index
    %get3A_1 = vector.load %arg0[%get3A, %get3A_0] : memref<128x32768xf32, #tpu.memory_space<vmem>>, vector<128x32768xf32>
    %get3A_2 = arith.constant 0 : index
    %get3A_3 = arith.constant 0 : index
    %get3A_4 = vector.load %arg1[%get3A_2, %get3A_3] : memref<128x1xf32, #tpu.memory_space<vmem>>, vector<128x1xf32>
    %sub3A = vector.broadcast %get3A_4 : vector<128x1xf32> to vector<128x32768xf32>
    %sub3A_5 = arith.subf %get3A_1, %sub3A : vector<128x32768xf32>
    %max3A = arith.constant 0.000000e+00 : f32
    %max3A_6 = vector.broadcast %max3A : f32 to vector<128x32768xf32>
    %max3A_7 = arith.maximumf %sub3A_5, %max3A_6 : vector<128x32768xf32>
    %reduce_sum3A = arith.constant dense<0.000000e+00> : vector<32768xf32>
    %reduce_sum3A_8 = vector.multi_reduction <add>, %max3A_7, %reduce_sum3A [0] : vector<128x32768xf32> to vector<32768xf32>
    %broadcast_in_dim3A = vector.shape_cast %reduce_sum3A_8 : vector<32768xf32> to vector<1x32768xf32>
    %div3A = arith.constant 1.280000e+02 : f32
    %div3A_9 = vector.broadcast %div3A : f32 to vector<1x32768xf32>
    %div3A_10 = arith.divf %broadcast_in_dim3A, %div3A_9 : vector<1x32768xf32>
    %broadcast_in_dim3A_11 = vector.shape_cast %div3A_10 : vector<1x32768xf32> to vector<1x32768xf32>
    %broadcast_in_dim3A_12 = vector.broadcast %broadcast_in_dim3A_11 : vector<1x32768xf32> to vector<128x32768xf32>
    %swap3A = arith.constant 0 : index
    %swap3A_13 = arith.constant 0 : index
    %swap3A_14 = vector.load %arg2[%swap3A, %swap3A_13] : memref<128x32768xf32, #tpu.memory_space<vmem>>, vector<128x32768xf32>
    tpu.vector_store %arg2[%swap3A, %swap3A_13], %broadcast_in_dim3A_12 {strides = array<i32>} : memref<128x32768xf32, #tpu.memory_space<vmem>>, vector<128x32768xf32>,
    return
  }
}

</mosaic_0001>

<sc_bundles>
// kernel: kernel.5.cloned.1.call-start
scs
__scs_entry_jumppad:
0x0: {  	(pc) =	sbr.rel $0x88, $3  }
0x1: {  	(tag) =	ssettag $0x0;
	lr =	simm.s32 $0x1  }
0x2: {  	[smem:$0x3FA0] =	sst lr;
	_ =	strace $0xD0000000  }
0x3: {  	_ = 	snop  }
0x4: {  	_ = 	snop  }
0x5: {  	_ = 	snop  }
0x6: {  	_ = 	snop  }
0x7: {  	_ = 	snop  }
__scs_overlays_trampoline_lowered:
0x8: {  	[smem:$0x3FAF] =	sst s0  }
0x9: {  	[smem:$0x3FB0] =	sst s1  }
0xa: {  	[smem:$0x3FB1] =	sst s2  }
0xb: {  	[smem:$0x3FB2] =	sst s3  }
0xc: {  	[smem:$0x3FB3] =	sst s4  }
0xd: {  	[smem:$0x3FB4] =	sst s5  }
0xe: {  	[smem:$0x3FB5] =	sst s6  }
0xf: {  	[smem:$0x3FB6] =	sst s7  }
0x10: {  	[smem:$0x3FB7] =	sst s8  }
0x11: {  	[smem:$0x3FB8] =	sst s9;
	s0 =	simm.s32 @!p0 $0x0  }
0x12: {  	s1 =	sld [smem:$0x3F9E];
	s0 =	simm.s32 @p0 $0x1  }
0x13: {  	[smem:$0x3FB9] =	sst s0;
	s0 =	simm.s32 @!p1 $0x0  }
0x14: {  	s2 =	sld [smem:$0x3F9D];
	s0 =	simm.s32 @p1 $0x1  }
0x15: {  	[smem:$0x3FBA] =	sst s0;
	s0 =	simm.s32 @!p2 $0x0  }
0x16: {  	s3 =	sld [smem:$0x3FDB];
	s0 =	simm.s32 @p2 $0x1  }
0x17: {  	s4 =	simm.s32 $0x1BF5;
	[smem:$0x3FBC] =	sst s0  }
0x18: {  	s0 =	sld [smem:$0x3F9F];
	_ =	swait.ge [sflag:s4], $0x0  }
0x19: {  	s7 =	sld [smem:$0x3FA0]  }
0x1a: {  	s8 =	sadd.s32 $0xFFFFE003, lr  }
0x1b: {  	s9 =	sadd.s32 $0xFFFFFEF7, lr;
	s5 =	simm.s32 $0xFFFFFFFF;
	p2 =	slt.u32 s8, $0xFFFFF086  }
0x1c: {  	p1 =	slt.u32 s9, $0xF7A;
	s5 =	simm.s32 @!p2 $0x0  }
0x1d: {  	s5 =	simm.s32 @p1 $0x1;
	p0 =	seq.s32 s7, s2  }
0x1e: {  	s7 =	smul.u32 @!p0 $0xF7A, s2;
	p2 =	seq.s32 @!p0 s5, $0x0  }
0x1f: {  	s9 =	smul.u32 $0xF7A, s1;
	s8 =	simm.s32 @!p0 $0x1BF5;
	p2 =	por !p2, p0  }
0x20: {  	[sflag:s8] =	ssyncset.s32 @!p0 $0xFFFFF086;
	s6 =	sadd.s32 @!p0 s3, s7;
	s7 =	simm.s32 @!p0 $0x108  }
0x21: {  	s3 =	sadd.s32 s3, s9;
	s6 =	sadd.s32 @!p0 $0x88, s6;
	s7 =	simm.s32 @p2 $0x1082  }
0x22: {  	[simem:s7], [sflag:s8] =	dma.local @!p0 [hbm:s6], $0xF7A  }
0x23: {  	s9 =	sor.u32 $0xD0000000, s2;
	s6 =	simm.s32 $0x108;
	_ =	swait.ge @!p0 [sflag:s8], $0x0  }
0x24: {  	s3 =	sadd.s32 $0x88, s3;
	s6 =	simm.s32 @!p1 $0x1082;
	[sflag:s4] =	ssyncset.s32 $0xFFFFF086  }
0x25: {  	[simem:s6], [sflag:s4] =	dma.local [hbm:s3], $0xF7A  }
0x26: {  	[smem:$0x3FA0] =	sst s1;
	(tag) =	ssettag s2;
	_ =	strace s9  }
0x27: {  	s1 =	sld [smem:$0x3FB0]  }
0x28: {  	s2 =	sld [smem:$0x3FB1]  }
0x29: {  	s4 =	sld [smem:$0x3FB3]  }
0x2a: {  	p0 =	seq.s32 s5, $0x0;
	s5 =	sld [smem:$0x3FB4]  }
0x2b: {  	s6 =	sld [smem:$0x3FB5]  }
0x2c: {  	s7 =	sld [smem:$0x3FB6]  }
0x2d: {  	s3 =	simm.s32 $0x108;
	s8 =	sld [smem:$0x3FB7]  }
0x2e: {  	s3 =	simm.s32 @!p0 $0x1082;
	s9 =	sld [smem:$0x3FB8]  }
0x2f: {  	lr =	sadd.s32 s0, s3;
	s0 =	sld [smem:$0x3FAF]  }
0x30: {  	s3 =	sld [smem:$0x3FB2]  }
0x31: {  	[smem:$0x3FBB] =	sst s10  }
0x32: {  	s10 =	sld [smem:$0x3FB9];
	_ =	sdelay $0x3  }
0x33: {  	p0 =	seq.s32 s10, $0x1;
	s10 =	sld [smem:$0x3FBB];
	_ =	sdelay $0x3  }
0x34: {  	[smem:$0x3FBB] =	sst s10  }
0x35: {  	s10 =	sld [smem:$0x3FBA];
	_ =	sdelay $0x3  }
0x36: {  	p1 =	seq.s32 s10, $0x1;
	s10 =	sld [smem:$0x3FBB];
	_ =	sdelay $0x3  }
0x37: {  	[smem:$0x3FBB] =	sst s10  }
0x38: {  	s10 =	sld [smem:$0x3FBC]  }
0x39: {  	_ = 	snop;
	(pc) =	sbr.ind lr, $3  }
0x3a: {  	_ = 	snop  }
0x3b: {  	_ = 	snop  }
0x3c: {  	p2 =	seq.s32 s10, $0x1;
	s10 =	sld [smem:$0x3FBB]  }
0x3d: {  	_ =	shalt  }
0x3e: {  	_ =	shalt  }
0x3f: {  	_ =	shalt  }
0x40: {  	_ =	shalt  }
0x41: {  	_ =	shalt  }
0x42: {  	_ =	shalt  }
0x43: {  	_ =	shalt  }
0x44: {  	_ =	shalt  }
0x45: {  	_ =	shalt  }
0x46: {  	_ =	shalt  }
0x47: {  	_ =	shalt  }
0x48: {  	_ =	shalt  }
0x49: {  	_ =	shalt  }
0x4a: {  	_ =	shalt  }
0x4b: {  	_ =	shalt  }
0x4c: {  	_ =	shalt  }
0x4d: {  	_ =	shalt  }
0x4e: {  	_ =	shalt  }
0x4f: {  	_ =	shalt  }
0x50: {  	_ =	shalt  }
0x51: {  	_ =	shalt  }
0x52: {  	_ =	shalt  }
0x53: {  	_ =	shalt  }
0x54: {  	_ =	shalt  }
0x55: {  	_ =	shalt  }
0x56: {  	_ =	shalt  }
0x57: {  	_ =	shalt  }
0x58: {  	_ =	shalt  }
0x59: {  	_ =	shalt  }
0x5a: {  	_ =	shalt  }
0x5b: {  	_ =	shalt  }
0x5c: {  	_ =	shalt  }
0x5d: {  	_ =	shalt  }
0x5e: {  	_ =	shalt  }
0x5f: {  	_ =	shalt  }
0x60: {  	_ =	shalt  }
0x61: {  	_ =	shalt  }
0x62: {  	_ =	shalt  }
0x63: {  	_ =	shalt  }
0x64: {  	_ =	shalt  }
0x65: {  	_ =	shalt  }
0x66: {  	_ =	shalt  }
0x67: {  	_ =	shalt  }
0x68: {  	_ =	shalt  }
0x69: {  	_ =	shalt  }
0x6a: {  	_ =	shalt  }
0x6b: {  	_ =	shalt  }
0x6c: {  	_ =	shalt  }
0x6d: {  	_ =	shalt  }
0x6e: {  	_ =	shalt  }
0x6f: {  	_ =	shalt  }
0x70: {  	_ =	shalt  }
0x71: {  	_ =	shalt  }
0x72: {  	_ =	shalt  }
0x73: {  	_ =	shalt  }
0x74: {  	_ =	shalt  }
0x75: {  	_ =	shalt  }
0x76: {  	_ =	shalt  }
0x77: {  	_ =	shalt  }
0x78: {  	_ =	shalt  }
0x79: {  	_ =	shalt  }
0x7a: {  	_ =	shalt  }
0x7b: {  	_ =	shalt  }
0x7c: {  	_ =	shalt  }
0x7d: {  	_ =	shalt  }
0x7e: {  	_ =	shalt  }
0x7f: {  	_ =	shalt  }
0x80: {  	_ =	shalt  }
0x81: {  	_ =	shalt  }
0x82: {  	_ =	shalt  }
0x83: {  	_ =	shalt  }
0x84: {  	_ =	shalt  }
0x85: {  	_ =	shalt  }
0x86: {  	_ =	shalt  }
0x87: {  	_ =	shalt  }
.Lfunc_end0:
.L_simem_size_0:
called_computation_lowered:
.L_overlay_start_0:
0x88: {  	s2 =	sld [smem:$0x3FD9]  }
0x89: {  	s3 =	sld [smem:$0x3FFE];
	_ =	sdelay $0x1  }
0x8a: {  	s1 =	srdreg.scid  }
0x8b: {  	s0 =	sand.u32 $0x1, s1  }
0x8c: {  	s17 =	sshll.u32 s0, $0xA;
	s2 =	sadd.s32 s3, s2  }
0x8d: {  	s2 =	sadd.s32 s2, s17  }
0x8e: {  	[smem:$0x3FC7] =	sst s2  }
0x8f: {  	_ = 	snop  }
0x90: {  	s2 =	sld [smem:$0x3FD0];
	(tm) =	ssettm $0x1  }
0x91: {  	s18 =	sld [smem:$0x3FFB];
	_ =	sdelay $0x3  }
0x92: {  	_ =	strace s18  }
0x93: {  	s3 =	sld [smem:$0x3FFC];
	_ =	sdelay $0x3  }
0x94: {  	_ =	strace s3  }
0x95: {  	s3 =	sld [smem:$0x3FFD];
	_ =	sdelay $0x3  }
0x96: {  	_ =	strace s3  }
0x97: {  	_ =	strace $0x8FFFFFFF  }
0x98: {  	s19 =	sld [smem:$0x3FDB];
	_ =	sdelay $0x1  }
0x99: {  	s4 =	simm.s32 $_scs_section_size  }
0x9a: {  	s5 =	simm.s32 $_size__tile_overlayer_lowered;
	s6 =	simm.s32 $_tile_overlayer_lowered  }
0x9b: {  	s22 =	simm.s32 $0x1BFF;
	s21 =	sshll.u32 s6, $0x1;
	s3 =	sadd.s32 s4, s19  }
0x9c: {  	s7 =	simm.s32 $0x0;
	s20 =	sshll.u32 s5, $0x1;
	s5 =	sadd.s32 s21, s3  }
0x9d: {  	[timem:s7], [sflag:s22] =	dma.local [hbm:s5], s20  }
0x9e: {  	_ =	swait.ge [sflag:s22], s20  }
0x9f: {  	s4 =	ssub.s32 $0x0, s20;
	[sflag:s22] =	ssyncset.done $0x0  }
0xa0: {  	[sflag:s22] =	ssyncadd.s32 s4;
	_ =	sdelay $0x1  }
0xa1: {  	s23 =	simm.s32 $0x1B8B  }
0xa2: {  	_ =	swait.ge [sflag:s23], $0x1  }
0xa3: {  	[sflag:s23] =	ssyncset.done $0x0  }
0xa4: {  	s25 =	simm.s32 $0x1B8E;
	s24 =	sld [smem:$0x3FFE];
	[sflag:s23] =	ssyncadd.s32 $0xFFFFFFFF  }
0xa5: {  	s26 =	simm.s32 $execute0_lowered;
	[smem:$0x3FD2] =	sst s25  }
0xa6: {  	s5 =	sshll.u32 s26, $0x1;
	_ =	strace $0x80000046;
	[dreg:$0x1] =	wrdreg $0xFFFFFFFF  }
0xa7: {  	s28 =	simm.s32 $_size_execute0_lowered;
	s3 =	sadd.s32 s3, s5;
	[dreg:$0x0] =	wrdreg $0x0  }
0xa8: {  	s5 =	sshll.u32 s28, $0x1;
	[dreg:$0x2] =	wrdreg s3  }
0xa9: {  	[dreg:$0x3] =	wrdreg s5  }
0xaa: {  	[dreg:$0x4] =	wrdreg $0xC0  }
0xab: {  	_ =	task [dreg:s7], $0x5FFFF  }
0xac: {  	[dreg:$0x1] =	wrdreg $0xFFFFFFFF  }
0xad: {  	[dreg:$0x0] =	wrdreg $0x60  }
0xae: {  	[dreg:$0x2] =	wrdreg s2  }
0xaf: {  	[dreg:$0x3] =	wrdreg s24  }
0xb0: {  	[dreg:$0x4] =	wrdreg $0x9  }
0xb1: {  	_ =	task.clear_ibuf [dreg:s7], $0x5FFFF;
	_ =	strace $0x90000046  }
0xb2: {  	s29 =	simm.s32 $0x9;
	_ =	strace $0x80000048  }
0xb3: {  	_ =	swait.ge [sflag:s29], $0x1  }
0xb4: {  	[sflag:s29] =	ssyncadd.s32 $0xFFFFFFFF  }
0xb5: {  	_ =	strace $0x90000048  }
0xb6: {  	_ =	sfence  }
0xb7: {  	s30 =	sld [smem:$0x0];
	_ =	sdelay $0x2  }
0xb8: {  	s31 =	sshll.u32 s1, $0xD;
	s1 =	sshrl.u32 s1, $0x2  }
0xb9: {  	s3 =	sand.u32 $0x4000, s31;
	s1 =	sadd.s32 s1, s30  }
0xba: {  	s0 =	sor.u32 s3, s0;
	s1 =	sshll.u32 s1, $0x11  }
0xbb: {  	s0 =	sor.u32 s1, s0  }
0xbc: {  	s0 =	sadd.s32 $0x8F2B, s0  }
0xbd: {  	[sflag:s0] =	ssyncadd.remote.s32 $0x1  }
0xbe: {  	_ =	sfence.sel $0xFFFF  }
0xbf: {  	[dreg:$0x0] =	wrdreg $0xFFFFFFFF;
	(pc) =	sbr.abs _section_cstart, $3  }
0xc0: {  	[dreg:$0x1] =	wrdreg $0xFFFFFFFF  }
0xc1: {  	_ =	task.clear_ibuf [dreg:s7], $0x2FFFF;
	_ =	strace $0x9FFFFFFF  }
0xc2: {  	(tm) =	ssettm $0x7FFFFFFF  }
0xc3: {  	_ =	shalt  }
tec
execute0_lowered:
.L_overlay_start_1:
0x0: {  	(tag) =	ssettag $0x1  }
0x1: {  	s1 =	rddreg [dreg:$0x0]  }
0x2: {  	s0 =	rddreg [dreg:$0x1];
	s7 =	simm.s32 $0x0;
	s2 =	srdreg.scid  }
0x3: {  	s5 =	stileid.u32;
	s10 =	simm.s32 $0x1;
	[smem:$0x7FF] =	sst s7  }
0x4: {  	s2 =	sand.u32 $0x1, s2;
	s4 =	sshll.u32 s5, $0xB;
	s5 =	sshll.u32 s5, $0x5  }
0x5: {  	_ =	strace $0x80000047;
	s3 =	sshll.u32 s2, $0x9;
	s6 =	sshll.u32 s2, $0x4  }
0x6: {  	s28 =	ssub.s32 $0x2, s2;
	s2 =	sshll.u32 s2, $0xA;
	s3 =	sor.u32 s3, s4  }
0x7: {  	s5 =	sor.u32 s6, s5;
	s29 =	sshrl.u32 s28, $0x1;
	s3 =	sshrl.u32 s3, $0x3  }
.Ltmp0:
0x8: {  	s31 =	sor.u32 s2, s4;
	s3 =	sadd.s32 s3, s0;
	(pc) =	sbr.rel .LBB2_1-.Ltmp0, $4  }
0x9: {  	[dreg:$0x6] =	wrdreg s31;
	s0 =	sadd.s32 s5, s0;
	s3 =	sadd.s32 $0xA00, s3  }
0xa: {  	s5 =	ssub.s32 s28, s29;
	s0 =	sadd.s32 $0x1A00, s0;
	[dreg:$0x3] =	wrdreg s3  }
0xb: {  	s12 =	simm.s32 $0x460;
	s30 =	smax.u32 s5, $0x1;
	[dreg:$0x4] =	wrdreg s0  }
0xc: {  	s13 =	simm.s32 $0x3580;
	v0 =	vimm.s32 $0x0;
	v1 =	vimm.f32 $0.0e+00;
	v2 =	vlaneseq.u32;
	[dreg:$0x5] =	wrdreg s30;
	s3 =	simm.s32 $0x0  }
.LBB2_14:
0xd: {  	s7 =	simm.s32 $0x0  }
0xe: {  	[tilespmem:$0x8580] =	vst v3;
	s0 =	rddreg [dreg:$0x4];
	s2 =	simm.s32 $0x8580;
	s30 =	simm.s32 $0x2  }
0xf: {  	[hbm4b:s0+s7] =	stream.linear.scatter [tilespmem:s2], [sflag:$0x2], $0x80, $0x38;
	[tilespmem:$0x8600] =	vst v63  }
0x10: {  	_ =	swait.ge [sflag:s30], $0x80  }
0x11: {  	s3 =	rddreg [dreg:$0x7]  }
0x12: {  	s31 =	rddreg [dreg:$0x5];
	s3 =	sadd.s32 $0x1, s3  }
0x13: {  	p0 =	sne.s32 s3, s31  }
.Ltmp1:
0x14: {  	_ = 	snop;
	(pc) =	sbr.rel @!p0 .LBB2_15-.Ltmp1, $3  }
0x15: {  	_ =	sdelay $0x1  }
0x16: {  	[sflag:s30] =	ssyncset.done $0x0  }
0x17: {  	[sflag:s30] =	ssyncadd.s32 $0xFFFFFF80  }
.LBB2_1:
0x18: {  	s0 =	rddreg [dreg:$0x3];
	s2 =	simm.s32 $0x200;
	s31 =	simm.s32 $0x400  }
0x19: {  	[tilespmem:s7], [sflag:$0x1] =	stream.strided.gather [hbm4b:s0+s2], $0x400, s31, s2, $0x38;
	[tilespmem:$0x8600] =	vst v63  }
0x1a: {  	[tilespmem:$0x400] =	vst v0  }
0x1b: {  	[tilespmem:$0x410] =	vst v0  }
0x1c: {  	[tilespmem:$0x420] =	vst v0  }
0x1d: {  	[tilespmem:$0x430] =	vst v0  }
0x1e: {  	[tilespmem:$0x440] =	vst v0  }
0x1f: {  	[tilespmem:$0x450] =	vst v0  }
0x20: {  	[tilespmem:$0x460] =	vst v0  }
0x21: {  	[tilespmem:$0x470] =	vst v0  }
0x22: {  	[tilespmem:$0x480] =	vst v0  }
0x23: {  	[tilespmem:$0x490] =	vst v0  }
0x24: {  	[tilespmem:$0x4A0] =	vst v0  }
0x25: {  	[tilespmem:$0x4B0] =	vst v0  }
0x26: {  	[tilespmem:$0x4C0] =	vst v0  }
0x27: {  	[tilespmem:$0x4D0] =	vst v0  }
0x28: {  	[tilespmem:$0x4E0] =	vst v0  }
.Ltmp2:
0x29: {  	[tilespmem:$0x4F0] =	vst v0;
	(pc) =	sbr.rel .LBB2_2-.Ltmp2, $4  }
0x2a: {  	[dreg:$0x7] =	wrdreg s3;
	[tilespmem:$0x500] =	vst v0  }
0x2b: {  	_ =	swait.ge [sflag:s10], $0x400  }
0x2c: {  	[sflag:s10] =	ssyncset.done $0x0  }
0x2d: {  	v3 =	vimm.f32 $0.0e+00;
	s18 =	simm.s32 $0x0;
	s17 =	rddreg [dreg:$0x6];
	[sflag:s10] =	ssyncadd.s32 $0xFFFFFC00  }
.LBB2_13:
0x2e: {  	v5 =	vmov s18;
	s18 =	sadd.s32 $0x1, s18  }
0x2f: {  	p0 =	sne.s32 s18, $0x4  }
.Ltmp3:
0x30: {  	_ = 	snop;
	(pc) =	sbr.rel @!p0 .LBB2_14-.Ltmp3, $3  }
0x31: {  	_ =	sdelay $0x1  }
0x32: {  	vm0 =	veq.s32 v5, v2  }
0x33: {  	s17 =	sadd.s32 $0x100, s17;
	v3 =	vsel vm0, v4, v3  }
.LBB2_2:
0x34: {  	s0 =	sshll.u32 s18, $0x7  }
0x35: {  	s21 =	sand.u32 $0x3FFFFF80, s0  }
0x36: {  	v4 =	vld [tilespmem:s21+$0x0]  }
0x37: {  	v5 =	vld [tilespmem:s21+$0x10]  }
0x38: {  	v6 =	vld [tilespmem:s21+$0x20]  }
0x39: {  	v7 =	vld [tilespmem:s21+$0x30]  }
0x3a: {  	v8 =	vld [tilespmem:s21+$0x40]  }
0x3b: {  	v9 =	vld [tilespmem:s21+$0x50];
	v4 =	vmax.f32 v4, $-3.399999950e+38  }
0x3c: {  	v4 =	vmax.f32 v4, v5;
	v5 =	vld [tilespmem:s21+$0x60]  }
0x3d: {  	v4 =	vmax.f32 v4, v6;
	v6 =	vld [tilespmem:s21+$0x70]  }
0x3e: {  	v4 =	vmax.f32 v4, v7;
	v7 =	vld [tilespmem:s21+$0x200]  }
0x3f: {  	v60 =	vld [tilespmem:s21+$0x210];
	v4 =	vmax.f32 v4, v8  }
0x40: {  	v61 =	vld [tilespmem:s21+$0x220];
	v4 =	vmax.f32 v4, v9  }
0x41: {  	v4 =	vmax.f32 v4, v5;
	v5 =	vld [tilespmem:s21+$0x230]  }
0x42: {  	v4 =	vmax.f32 v4, v6;
	v6 =	vld [tilespmem:s21+$0x240]  }
0x43: {  	v4 =	vmax.f32 v4, v7;
	v7 =	vld [tilespmem:s21+$0x250]  }
0x44: {  	v62 =	vld [tilespmem:s21+$0x260];
	v4 =	vmax.f32 v4, v60  }
0x45: {  	v63 =	vld [tilespmem:s21+$0x270];
	v4 =	vmax.f32 v4, v61  }
0x46: {  	v4 =	vmax.f32 v4, v5  }
0x47: {  	v4 =	vmax.f32 v4, v6  }
0x48: {  	v4 =	vmax.f32 v4, v7  }
0x49: {  	v4 =	vmax.f32 v4, v62  }
0x4a: {  	v4 =	vmax.f32 v4, v63  }
0x4b: {  	(v2sf) =	vpush v4, $0x0  }
0x4c: {  	(v2sf) =	vpush v4, $0x1  }
0x4d: {  	(v2sf) =	vpush v4, $0x2  }
0x4e: {  	(v2sf) =	vpush v4, $0x3  }
0x4f: {  	(v2sf) =	vpush v4, $0x4  }
0x50: {  	(v2sf) =	vpush v4, $0x5  }
0x51: {  	(v2sf) =	vpush v4, $0x6  }
0x52: {  	s20 =	simm.s32 $0x0;
	(v2sf) =	vpush v4, $0x7  }
0x53: {  	s22 =	sand.u32 $0x200, s20;
	(v2sf) =	vpush v4, $0x8  }
0x54: {  	s2 =	sand.u32 $0x70, s20;
	s0 =	sadd.s32 s22, s21;
	(v2sf) =	vpush v4, $0x9  }
0x55: {  	s0 =	sadd.s32 s2, s0;
	(v2sf) =	vpush v4, $0xA  }
0x56: {  	v5 =	vld [tilespmem:s0+$0x0];
	(v2sf) =	vpush v4, $0xB  }
0x57: {  	(v2sf) =	vpush v4, $0xC  }
0x58: {  	(v2sf) =	vpush v4, $0xD  }
0x59: {  	(v2sf) =	vpush v4, $0xE  }
0x5a: {  	s23 =	spop (v2sf);
	(v2sf) =	vpush v4, $0xF  }
0x5b: {  	s24 =	spop (v2sf);
	(v2sf) =	vpush v5, $0x5  }
0x5c: {  	s3 =	spop (v2sf);
	(v2sf) =	vpush v5, $0x0  }
0x5d: {  	s0 =	smax.f32 s23, s24;
	s25 =	spop (v2sf);
	(v2sf) =	vpush v5, $0x1  }
0x5e: {  	s0 =	smax.f32 s0, s3;
	s26 =	spop (v2sf);
	(v2sf) =	vpush v5, $0x3  }
0x5f: {  	s0 =	smax.f32 s0, s25;
	s4 =	spop (v2sf)  }
0x60: {  	s0 =	smax.f32 s0, s26;
	s3 =	spop (v2sf)  }
0x61: {  	(v2sf) =	vpush v5, $0x4;
	s0 =	smax.f32 s0, s4;
	s4 =	spop (v2sf)  }
0x62: {  	(v2sf) =	vpush v5, $0x6;
	s0 =	smax.f32 s0, s3;
	s5 =	spop (v2sf)  }
0x63: {  	(v2sf) =	vpush v5, $0x2;
	s0 =	smax.f32 s0, s4;
	s6 =	spop (v2sf)  }
0x64: {  	s0 =	smax.f32 s0, s5;
	s7 =	spop (v2sf)  }
0x65: {  	(v2sf) =	vpush v5, $0x8;
	s0 =	smax.f32 s0, s6;
	s8 =	spop (v2sf)  }
0x66: {  	s0 =	smax.f32 s0, s7;
	s9 =	spop (v2sf)  }
0x67: {  	(v2sf) =	vpush v5, $0x9;
	s0 =	smax.f32 s0, s8;
	s11 =	spop (v2sf)  }
0x68: {  	s0 =	smax.f32 s0, s9;
	s14 =	spop (v2sf)  }
0x69: {  	(v2sf) =	vpush v5, $0xA;
	s0 =	smax.f32 s0, s11;
	s15 =	spop (v2sf)  }
0x6a: {  	(v2sf) =	vpush v5, $0xB;
	s0 =	smax.f32 s0, s14;
	s16 =	spop (v2sf)  }
0x6b: {  	p0 =	por $0x0, $0x0;
	s0 =	smax.f32 s0, s15;
	s2 =	spop (v2sf)  }
0x6c: {  	s22 =	simm.s32 $0x10;
	s19 =	sadd.f32 $-1.000000000e+00, s0;
	s23 =	spop (v2sf)  }
0x6d: {  	s3 =	simm.s32 $0x1;
	(v2sf) =	vpush v5, $0xC;
	s9 =	simm.s32 $0x1;
	s24 =	spop (v2sf)  }
0x6e: {  	s0 =	simm.s32 $0x1;
	p2 =	sgt.f32 s2, s19;
	p1 =	sgt.f32 s23, s19  }
0x6f: {  	p5 =	sgt.f32 @!p0 s2, s19;
	s2 =	simm.s32 $0x1;
	s23 =	simm.s32 $0x40  }
0x70: {  	(v2sf) =	vpush v5, $0xD;
	p4 =	sgt.f32 s24, s19;
	s25 =	spop (v2sf);
	s0 =	simm.s32 @!p2 $0x0  }
0x71: {  	s5 =	spop (v2sf);
	p2 =	sgt.f32 s16, s19;
	p5 =	por !p5, p0  }
0x72: {  	(v2sf) =	vpush v5, $0xE;
	s16 =	sadd.s32 $0x0, s17;
	s29 =	sadd.s32 $0x0, s0;
	s26 =	spop (v2sf)  }
0x73: {  	(v2sf) =	vpush v5, $0xF;
	s7 =	simm.s32 @!p4 $0x0;
	s2 =	simm.s32 @!p4 $0x0;
	p0 =	sgt.f32 s5, s19  }
0x74: {  	(v2sf) =	vpush v5, $0x7;
	s0 =	simm.s32 $0x1;
	p3 =	sgt.s32 @p1 s29, $0xFF;
	s6 =	spop (v2sf)  }
0x75: {  	s7 =	simm.s32 @p4 $0x1;
	p4 =	sgt.f32 s25, s19;
	p6 =	por p2, p2  }
0x76: {  	[smem:$0x7F8] =	sst s7;
	p3 =	por p3, !p1;
	s14 =	spop (v2sf)  }
0x77: {  	s5 =	simm.s32 @!p0 $0x0;
	s9 =	simm.s32 @!p0 $0x0;
	s8 =	sadd.s32 @!p3 $0x0, s17  }
0x78: {  	s7 =	spop (v2sf);
	s4 =	simm.s32 @!p4 $0x0;
	s3 =	simm.s32 @!p4 $0x0  }
0x79: {  	s5 =	simm.s32 @p0 $0x1;
	p0 =	sgt.f32 s6, s19;
	s28 =	spop (v2sf)  }
0x7a: {  	s4 =	simm.s32 @p4 $0x1;
	[smem:$0x7FA] =	sst s5;
	s5 =	simm.s32 $0x1  }
0x7b: {  	s15 =	sadd.s32 @!p3 $0x1, s8;
	s5 =	simm.s32 @!p1 $0x0;
	p1 =	sgt.f32 s14, s19  }
0x7c: {  	p4 =	sgt.f32 s26, s19;
	s26 =	simm.s32 $0x0;
	s30 =	spop (v2sf)  }
0x7d: {  	s14 =	simm.s32 $0x1;
	s8 =	sadd.s32 s5, s29;
	s5 =	simm.s32 @!p1 $0x0  }
0x7e: {  	s14 =	simm.s32 @!p1 $0x0;
	s5 =	simm.s32 @p1 $0x1;
	p1 =	sgt.f32 s7, s19  }
0x7f: {  	[smem:$0x7F9] =	sst s4;
	s4 =	simm.s32 $0x1;
	s31 =	spop (v2sf)  }
0x80: {  	s4 =	simm.s32 @!p2 $0x0;
	[smem:$0x7FB] =	sst s5;
	s5 =	simm.s32 @!p1 $0x0  }
0x81: {  	s0 =	simm.s32 @!p4 $0x0;
	s25 =	spop (v2sf);
	s5 =	simm.s32 @p1 $0x1  }
0x82: {  	s24 =	spop (v2sf);
	[smem:$0x7FC] =	sst s5;
	s5 =	simm.s32 @!p3 $0x0  }
0x83: {  	s0 =	sadd.s32 s0, s8;
	s11 =	spop (v2sf);
	s5 =	simm.s32 @p3 $0x1  }
0x84: {  	v5 =	vmov @!p5 s16;
	v4 =	vmov @!p3 s15;
	p1 =	sgt.s32 @p4 s8, $0xFF;
	p3 =	sgt.f32 s11, s19;
	[smem:$0x7FD] =	sst s5  }
.LBB2_3:
0x85: {  	s5 =	simm.s32 @!p0 $0x0;
	s15 =	sld [smem:$0x7F8]  }
0x86: {  	p4 =	por p1, !p4;
	s16 =	sld [smem:$0x7FA];
	s5 =	simm.s32 @p0 $0x1  }
0x87: {  	s6 =	sadd.s32 s2, s0;
	[smem:$0x7F0] =	sst s5;
	s5 =	simm.s32 @!p4 $0x0  }
0x88: {  	s5 =	simm.s32 @p4 $0x1;
	p2 =	seq.s32 s15, $0x1;
	s15 =	sld [smem:$0x7FD]  }
0x89: {  	s7 =	sadd.s32 @!p4 s20, s17;
	[smem:$0x7F1] =	sst s5;
	p1 =	sgt.s32 @p2 s0, $0xFF  }
0x8a: {  	s5 =	sadd.s32 s3, s6;
	s3 =	simm.s32 $0x1;
	p4 =	por p2, p2  }
0x8b: {  	[tilespmem:s26+$0x400] =	vst @!p5 v5;
	s3 =	simm.s32 @!p0 $0x0;
	p0 =	sgt.s32 @p6 s5, $0xFF;
	p5 =	por p1, !p4  }
0x8c: {  	s4 =	sadd.s32 s4, s5;
	p2 =	seq.s32 s15, $0x1;
	s15 =	sadd.s32 @!p5 s20, s17  }
0x8d: {  	p6 =	por p0, !p6;
	p0 =	seq.s32 s16, $0x1;
	s15 =	sadd.s32 @!p5 $0x3, s15  }
0x8e: {  	[tilespmem:s29+$0x400] =	vst @!p2 v4;
	p1 =	sgt.s32 @p0 s4, $0xFF;
	v4 =	vmov @!p5 s15;
	s15 =	sld [smem:$0x7F9]  }
0x8f: {  	s16 =	sadd.s32 @!p6 s20, s17;
	p2 =	por p1, !p0  }
0x90: {  	s11 =	simm.s32 $0x1;
	s16 =	sadd.s32 @!p6 $0x5, s16;
	s26 =	sadd.s32 @!p2 s20, s17  }
0x91: {  	p1 =	seq.s32 s15, $0x1;
	s15 =	sadd.s32 @!p2 $0x6, s26;
	s26 =	sld [smem:$0x7F0]  }
0x92: {  	s11 =	simm.s32 @!p3 $0x0;
	s9 =	sadd.s32 s9, s4;
	v5 =	vmov @!p6 s16;
	s16 =	simm.s32 @!p2 $0x0  }
0x93: {  	s11 =	sadd.s32 s11, s9;
	s16 =	simm.s32 @p2 $0x1;
	p0 =	sgt.s32 @p1 s6, $0xFF  }
0x94: {  	p4 =	por p0, !p1;
	p0 =	seq.s32 s26, $0x1;
	s26 =	sld [smem:$0x7FB]  }
0x95: {  	[smem:$0x7F4] =	sst s16;
	p1 =	sgt.s32 @p0 s11, $0xFF  }
0x96: {  	s16 =	sadd.s32 s3, s11;
	v6 =	vmov @!p2 s15;
	p2 =	sgt.s32 @p3 s9, $0xFF;
	p1 =	por p1, !p0  }
0x97: {  	s3 =	simm.s32 @!p1 $0x0;
	p0 =	seq.s32 s26, $0x1;
	s26 =	sld [smem:$0x7F1]  }
0x98: {  	p2 =	por p2, !p3;
	s3 =	simm.s32 @p1 $0x1;
	p3 =	sgt.s32 @p0 s16, $0xFF  }
0x99: {  	[smem:$0x7F5] =	sst s3;
	s3 =	simm.s32 @!p3 $0x0  }
0x9a: {  	s3 =	simm.s32 @p3 $0x1;
	p3 =	seq.s32 s26, $0x1;
	s26 =	sadd.s32 @!p1 s20, s17  }
0x9b: {  	[smem:$0x7F2] =	sst s3;
	s3 =	sadd.s32 @!p3 $0x2, s7;
	s26 =	sadd.s32 @!p1 $0x8, s26  }
0x9c: {  	s15 =	sadd.s32 @!p4 s20, s17;
	v7 =	vmov @!p3 s3;
	v8 =	vmov @!p1 s26;
	s26 =	sld [smem:$0x7FC]  }
0x9d: {  	[tilespmem:s8+$0x400] =	vst @!p3 v7;
	s8 =	sadd.s32 @!p4 $0x4, s15;
	s15 =	sld [smem:$0x7F2];
	_ =	sdelay $0x1  }
0x9e: {  	s7 =	sadd.s32 @!p2 s20, s17;
	[tilespmem:s0+$0x400] =	vst @!p5 v4;
	v4 =	vmov @!p4 s8;
	s8 =	sld [smem:$0x7F4]  }
0x9f: {  	s3 =	sadd.s32 s14, s16;
	p1 =	seq.s32 s26, $0x1;
	p3 =	seq.s32 s15, $0x1  }
0xa0: {  	s7 =	sadd.s32 @!p2 $0x7, s7;
	[tilespmem:s6+$0x400] =	vst @!p4 v4;
	p3 =	por p3, !p0;
	p0 =	sgt.s32 @p1 s3, $0xFF  }
0xa1: {  	v7 =	vmov @!p2 s7;
	[tilespmem:s5+$0x400] =	vst @!p6 v5;
	p4 =	seq.s32 s8, $0x1;
	s7 =	simm.s32 @!p0 $0x0  }
0xa2: {  	[tilespmem:s4+$0x400] =	vst @!p4 v6;
	s7 =	simm.s32 @p0 $0x1;
	p0 =	sgt.f32 s31, s19  }
0xa3: {  	s2 =	smov.u32 s22;
	[tilespmem:s9+$0x400] =	vst @!p2 v7;
	s9 =	sld [smem:$0x7F5]  }
0xa4: {  	s22 =	sadd.s32 $0x10, s22;
	[smem:$0x7F3] =	sst s7;
	s7 =	simm.s32 @!p0 $0x0  }
0xa5: {  	s6 =	simm.s32 $0x1;
	s7 =	simm.s32 @p0 $0x1;
	p0 =	sne.s32 s22, $0x100  }
0xa6: {  	p2 =	seq.s32 s9, $0x1;
	[smem:$0x7F6] =	sst s7;
	s7 =	simm.s32 @!p0 $0x0  }
0xa7: {  	s6 =	simm.s32 @!p1 $0x0;
	[tilespmem:s11+$0x400] =	vst @!p2 v8;
	s7 =	simm.s32 @p0 $0x1;
	s11 =	sld [smem:$0x7F6]  }
0xa8: {  	s5 =	sadd.s32 s6, s3;
	p0 =	sgt.f32 s28, s19;
	[smem:$0x7F7] =	sst s7  }
0xa9: {  	s8 =	simm.s32 $0x1;
	s0 =	sadd.s32 @!p3 s20, s17;
	s7 =	sld [smem:$0x7F3]  }
0xaa: {  	s4 =	simm.s32 $0x1;
	s0 =	sadd.s32 @!p3 $0x9, s0;
	p5 =	sgt.s32 @p0 s5, $0xFF  }
0xab: {  	s9 =	simm.s32 $0x1;
	s4 =	simm.s32 @!p0 $0x0;
	p0 =	por p5, !p0  }
0xac: {  	v4 =	vmov @!p3 s0;
	s0 =	sadd.s32 s4, s5;
	p4 =	seq.s32 s11, $0x1;
	p6 =	seq.s32 s7, $0x1  }
0xad: {  	s7 =	sadd.s32 @!p0 s20, s17;
	p1 =	por p6, !p1;
	p6 =	sgt.f32 s30, s19  }
0xae: {  	s4 =	simm.s32 $0x1;
	s8 =	simm.s32 @!p4 $0x0;
	s7 =	sadd.s32 @!p0 $0xB, s7  }
0xaf: {  	s6 =	sadd.s32 @!p1 s20, s17;
	s4 =	simm.s32 @!p6 $0x0;
	p2 =	sgt.s32 @p6 s0, $0xFF  }
0xb0: {  	s6 =	sadd.s32 @!p1 $0xA, s6;
	p2 =	por p2, !p6;
	s4 =	sadd.s32 s4, s0  }
0xb1: {  	[tilespmem:s16+$0x400] =	vst @!p3 v4;
	v4 =	vmov @!p0 s7;
	p6 =	sgt.f32 s25, s19;
	s7 =	sadd.s32 @!p2 s20, s17;
	p3 =	sgt.s32 @p4 s4, $0xFF  }
0xb2: {  	s8 =	sadd.s32 s8, s4;
	p3 =	por p3, !p4;
	p4 =	sgt.f32 s24, s19  }
0xb3: {  	v5 =	vmov @!p1 s6;
	s9 =	simm.s32 @!p6 $0x0;
	s6 =	sadd.s32 @!p2 $0xC, s7;
	p5 =	sgt.s32 @p6 s8, $0xFF  }
0xb4: {  	[tilespmem:s3+$0x400] =	vst @!p1 v5;
	v5 =	vmov @!p2 s6;
	s3 =	sadd.s32 @!p3 s20, s17;
	p1 =	por p5, !p6;
	s6 =	sadd.s32 s9, s8  }
0xb5: {  	[tilespmem:s5+$0x400] =	vst @!p0 v4;
	s3 =	sadd.s32 @!p3 $0xD, s3;
	s5 =	sadd.s32 @!p1 s20, s17;
	p0 =	sgt.s32 @p4 s6, $0xFF  }
0xb6: {  	[tilespmem:s0+$0x400] =	vst @!p2 v5;
	v4 =	vmov @!p3 s3;
	s0 =	sadd.s32 @!p1 $0xE, s5;
	p0 =	por p0, !p4  }
0xb7: {  	[tilespmem:s4+$0x400] =	vst @!p3 v4;
	v4 =	vmov @!p1 s0;
	s0 =	sadd.s32 @!p0 s20, s17  }
0xb8: {  	s14 =	sand.u32 $0x200, s23;
	s20 =	smov.u32 s2;
	s0 =	sadd.s32 @!p0 $0xF, s0  }
0xb9: {  	s3 =	sadd.s32 s14, s21;
	s2 =	sand.u32 $0x70, s20;
	[tilespmem:s8+$0x400] =	vst @!p1 v4;
	v4 =	vmov @!p0 s0  }
0xba: {  	s2 =	sadd.s32 s2, s3;
	[tilespmem:s6+$0x400] =	vst @!p0 v4  }
0xbb: {  	v4 =	vld [tilespmem:s2+$0x0];
	_ =	sdelay $0x4  }
0xbc: {  	(v2sf) =	vpush v4, $0x5  }
0xbd: {  	(v2sf) =	vpush v4, $0x0  }
0xbe: {  	(v2sf) =	vpush v4, $0x1  }
0xbf: {  	(v2sf) =	vpush v4, $0x3;
	_ =	sdelay $0x1  }
0xc0: {  	(v2sf) =	vpush v4, $0x4  }
0xc1: {  	(v2sf) =	vpush v4, $0x6  }
0xc2: {  	(v2sf) =	vpush v4, $0x2;
	_ =	sdelay $0x1  }
0xc3: {  	(v2sf) =	vpush v4, $0x8  }
0xc4: {  	(v2sf) =	vpush v4, $0x9;
	_ =	sdelay $0x2  }
0xc5: {  	(v2sf) =	vpush v4, $0xA  }
0xc6: {  	s7 =	simm.s32 $0x1  }
0xc7: {  	s7 =	simm.s32 @!p4 $0x0;
	s15 =	spop (v2sf)  }
0xc8: {  	s9 =	simm.s32 $0x1;
	s26 =	sadd.s32 s7, s6;
	(v2sf) =	vpush v4, $0xB;
	s2 =	spop (v2sf)  }
0xc9: {  	p3 =	sgt.s32 s26, $0xFF;
	s24 =	spop (v2sf);
	p0 =	sgt.f32 s2, s19  }
0xca: {  	p4 =	sgt.f32 @!p3 s2, s19;
	s2 =	simm.s32 $0x1;
	s25 =	spop (v2sf)  }
0xcb: {  	(v2sf) =	vpush v4, $0xC;
	p1 =	sgt.f32 s24, s19;
	p2 =	sgt.f32 s25, s19;
	s2 =	simm.s32 @!p0 $0x0  }
0xcc: {  	(v2sf) =	vpush v4, $0xD;
	s5 =	spop (v2sf);
	p5 =	por !p4, p3;
	s29 =	sadd.s32 s2, s26  }
0xcd: {  	s2 =	simm.s32 $0x1;
	s6 =	spop (v2sf);
	p0 =	sgt.s32 @p1 s29, $0xFF  }
0xce: {  	(v2sf) =	vpush v4, $0xE;
	s4 =	simm.s32 @!p2 $0x0;
	s2 =	simm.s32 @!p2 $0x0;
	s7 =	spop (v2sf)  }
0xcf: {  	(v2sf) =	vpush v4, $0xF;
	s4 =	simm.s32 @p2 $0x1;
	p0 =	por p0, !p1;
	p2 =	sgt.f32 s5, s19  }
0xd0: {  	(v2sf) =	vpush v4, $0x7;
	s16 =	spop (v2sf);
	p4 =	sgt.f32 s7, s19;
	s3 =	sadd.s32 @!p0 s20, s17  }
0xd1: {  	[smem:$0x7F8] =	sst s4;
	s11 =	spop (v2sf);
	s3 =	sadd.s32 @!p0 $0x1, s3  }
0xd2: {  	s8 =	simm.s32 @!p0 $0x0;
	s0 =	simm.s32 @!p2 $0x0;
	v4 =	vmov @!p0 s3;
	s3 =	simm.s32 $0x1  }
0xd3: {  	s0 =	simm.s32 @p2 $0x1;
	s3 =	simm.s32 @!p2 $0x0;
	p2 =	sgt.f32 s6, s19  }
0xd4: {  	s4 =	simm.s32 $0x1;
	s8 =	simm.s32 @p0 $0x1;
	s14 =	spop (v2sf)  }
0xd5: {  	p0 =	sgt.f32 s15, s19;
	[smem:$0x7F9] =	sst s0;
	s0 =	simm.s32 @!p2 $0x0  }
0xd6: {  	s9 =	simm.s32 @!p2 $0x0;
	s0 =	simm.s32 @p2 $0x1;
	p2 =	sgt.f32 s14, s19  }
0xd7: {  	[smem:$0x7FD] =	sst s8;
	s28 =	spop (v2sf);
	p6 =	por p0, p0  }
0xd8: {  	s4 =	simm.s32 @!p0 $0x0;
	p0 =	sgt.f32 s16, s19;
	s8 =	simm.s32 @!p2 $0x0  }
0xd9: {  	s16 =	sld [smem:$0x7F7];
	s8 =	simm.s32 @p2 $0x1;
	p2 =	sgt.f32 s11, s19  }
0xda: {  	s30 =	spop (v2sf);
	s14 =	simm.s32 $0x1;
	[smem:$0x7FA] =	sst s0  }
0xdb: {  	s31 =	spop (v2sf);
	s0 =	sadd.s32 s20, s17;
	s5 =	simm.s32 @!p2 $0x0  }
0xdc: {  	s14 =	simm.s32 @!p2 $0x0;
	s5 =	simm.s32 @p2 $0x1;
	p2 =	seq.s32 s16, $0x1  }
.Ltmp4:
0xdd: {  	s25 =	spop (v2sf);
	v5 =	vmov @!p5 s0;
	s0 =	simm.s32 $0x1;
	(pc) =	sbr.rel @p2 .LBB2_3-.Ltmp4, $4  }
0xde: {  	s24 =	spop (v2sf);
	s0 =	simm.s32 @!p1 $0x0;
	[smem:$0x7FC] =	sst s8  }
0xdf: {  	s15 =	spop (v2sf);
	s8 =	sadd.s32 s0, s29;
	s0 =	simm.s32 $0x1  }
0xe0: {  	s23 =	sadd.s32 $0x40, s23;
	p3 =	sgt.f32 s15, s19;
	s0 =	simm.s32 @!p4 $0x0  }
0xe1: {  	p1 =	sgt.s32 @p4 s8, $0xFF;
	s0 =	sadd.s32 s0, s8;
	[smem:$0x7FB] =	sst s5  }
0xe2: {  	s11 =	sld [smem:$0x7F8];
	_ =	sdelay $0x1  }
0xe3: {  	s23 =	sadd.s32 s2, s0;
	p1 =	por p1, !p4  }
0xe4: {  	p4 =	por p0, p0;
	s2 =	simm.s32 @!p1 $0x0;
	p0 =	seq.s32 s11, $0x1  }
0xe5: {  	s2 =	simm.s32 @p1 $0x1;
	p1 =	sgt.s32 @p0 s0, $0xFF  }
0xe6: {  	s15 =	sld [smem:$0x7FA];
	s5 =	sadd.s32 s3, s23;
	p0 =	por p1, !p0  }
0xe7: {  	s7 =	sld [smem:$0x7F9];
	p2 =	sgt.s32 @p6 s5, $0xFF;
	s3 =	simm.s32 @!p0 $0x0  }
0xe8: {  	[smem:$0x7E6] =	sst s2;
	s3 =	simm.s32 @p0 $0x1;
	p0 =	por p2, !p6  }
0xe9: {  	[smem:$0x7E7] =	sst s3;
	s3 =	simm.s32 @!p0 $0x0  }
0xea: {  	s2 =	sadd.s32 s4, s5;
	s3 =	simm.s32 @p0 $0x1;
	p0 =	seq.s32 s15, $0x1  }
0xeb: {  	p1 =	sgt.s32 @p0 s2, $0xFF  }
0xec: {  	s16 =	sld [smem:$0x7FB];
	s4 =	simm.s32 $0x1;
	p0 =	por p1, !p0  }
0xed: {  	[smem:$0x7E8] =	sst s3;
	p1 =	seq.s32 s7, $0x1;
	s3 =	simm.s32 @!p0 $0x0  }
0xee: {  	s6 =	sadd.s32 s9, s2;
	s3 =	simm.s32 @p0 $0x1;
	p0 =	sgt.s32 @p1 s23, $0xFF  }
0xef: {  	s4 =	simm.s32 @!p3 $0x0;
	p6 =	por p0, !p1;
	p1 =	sgt.s32 @p3 s6, $0xFF  }
0xf0: {  	s22 =	sld [smem:$0x7FC];
	s21 =	sadd.s32 s4, s6;
	p0 =	por p1, !p3  }
0xf1: {  	p2 =	sgt.s32 @p4 s21, $0xFF;
	[smem:$0x7E9] =	sst s3;
	s4 =	simm.s32 @!p0 $0x0  }
0xf2: {  	s3 =	simm.s32 $0x1;
	s4 =	simm.s32 @p0 $0x1;
	p0 =	por p2, !p4  }
0xf3: {  	s3 =	simm.s32 @!p4 $0x0;
	[smem:$0x7EA] =	sst s4;
	s4 =	simm.s32 @!p0 $0x0  }
0xf4: {  	s3 =	sadd.s32 s3, s21;
	s4 =	simm.s32 @p0 $0x1;
	p0 =	seq.s32 s16, $0x1  }
0xf5: {  	s15 =	sld [smem:$0x7E7];
	p1 =	sgt.s32 @p0 s3, $0xFF  }
0xf6: {  	p3 =	sgt.f32 s28, s19;
	s28 =	sld [smem:$0x7E6];
	p0 =	por p1, !p0  }
0xf7: {  	s9 =	sadd.s32 s14, s3;
	[smem:$0x7EB] =	sst s4;
	s4 =	simm.s32 @!p0 $0x0  }
0xf8: {  	s16 =	sld [smem:$0x7FD];
	s4 =	simm.s32 @p0 $0x1;
	p0 =	seq.s32 s22, $0x1  }
0xf9: {  	[smem:$0x7EC] =	sst s4;
	s4 =	simm.s32 $0x1;
	p1 =	sgt.s32 @p0 s9, $0xFF  }
0xfa: {  	[tilespmem:s26+$0x400] =	vst @!p5 v5;
	s26 =	sld [smem:$0x7EB];
	s4 =	simm.s32 @!p0 $0x0;
	p0 =	por p1, !p0  }
0xfb: {  	p1 =	sgt.f32 s31, s19;
	s31 =	sld [smem:$0x7E9];
	s7 =	simm.s32 @!p0 $0x0  }
0xfc: {  	s22 =	sadd.s32 s4, s9;
	s4 =	simm.s32 $0x1;
	s7 =	simm.s32 @p0 $0x1  }
0xfd: {  	p0 =	sgt.f32 s30, s19;
	[smem:$0x7ED] =	sst s7;
	s7 =	simm.s32 $0x1  }
0xfe: {  	p2 =	sgt.s32 @p3 s22, $0xFF;
	s30 =	sld [smem:$0x7E8];
	s7 =	simm.s32 @!p3 $0x0  }
0xff: {  	p2 =	por p2, !p3;
	s4 =	simm.s32 @!p0 $0x0;
	s14 =	sadd.s32 s7, s22  }
0x100: {  	p3 =	seq.s32 s31, $0x1;
	s4 =	sadd.s32 s4, s14;
	p4 =	sgt.s32 @p0 s14, $0xFF  }
0x101: {  	s7 =	simm.s32 @!p2 $0x0;
	p4 =	por p4, !p0;
	p0 =	sgt.s32 @p1 s4, $0xFF  }
0x102: {  	s7 =	simm.s32 @p2 $0x1;
	p2 =	seq.s32 s28, $0x1;
	p0 =	por p0, !p1  }
0x103: {  	[smem:$0x7EE] =	sst s7;
	s7 =	sadd.s32 @!p2 s20, s17;
	s11 =	simm.s32 @!p0 $0x0  }
0x104: {  	s28 =	sld [smem:$0x7EC];
	s7 =	sadd.s32 @!p2 $0x2, s7;
	s11 =	simm.s32 @p0 $0x1  }
0x105: {  	p0 =	seq.s32 s16, $0x1;
	[smem:$0x7EF] =	sst s11;
	s11 =	simm.s32 $0x1  }
0x106: {  	[tilespmem:s29+$0x400] =	vst @!p0 v4;
	p0 =	seq.s32 s30, $0x1;
	s11 =	simm.s32 @!p1 $0x0;
	p1 =	seq.s32 s15, $0x1  }
0x107: {  	v4 =	vmov @!p2 s7;
	s7 =	sadd.s32 @!p6 s20, s17;
	s29 =	sld [smem:$0x7ED];
	s15 =	sadd.s32 @!p1 s20, s17  }
0x108: {  	s30 =	sld [smem:$0x7EE];
	s16 =	sadd.s32 @!p0 s20, s17;
	s15 =	sadd.s32 @!p1 $0x3, s15  }
0x109: {  	[tilespmem:s8+$0x400] =	vst @!p2 v4;
	s7 =	sadd.s32 @!p6 $0x4, s7;
	s8 =	sadd.s32 @!p0 $0x5, s16;
	s16 =	sadd.s32 @!p3 s20, s17;
	v4 =	vmov @!p1 s15  }
0x10a: {  	p2 =	por p0, p0;
	[tilespmem:s0+$0x400] =	vst @!p1 v4;
	s0 =	sadd.s32 @!p3 $0x6, s16;
	s16 =	sld [smem:$0x7EA];
	v4 =	vmov @!p6 s7  }
0x10b: {  	p5 =	seq.s32 s26, $0x1;
	s31 =	sld [smem:$0x7EF];
	[tilespmem:s23+$0x400] =	vst @!p6 v4;
	v4 =	vmov @!p2 s8  }
0x10c: {  	p1 =	seq.s32 s28, $0x1;
	p6 =	seq.s32 s30, $0x1;
	[tilespmem:s5+$0x400] =	vst @!p2 v4;
	p2 =	seq.s32 s29, $0x1  }
0x10d: {  	v4 =	vmov @!p3 s0;
	p0 =	seq.s32 s16, $0x1;
	s16 =	sadd.s32 @!p5 s20, s17;
	s5 =	sadd.s32 @!p2 s20, s17  }
0x10e: {  	[tilespmem:s2+$0x400] =	vst @!p3 v4;
	p3 =	por p6, p6;
	s15 =	sadd.s32 @!p0 s20, s17;
	s8 =	sadd.s32 @!p5 $0x8, s16  }
0x10f: {  	s5 =	sadd.s32 @!p2 $0xA, s5;
	s7 =	sadd.s32 @!p0 $0x7, s15;
	s15 =	sadd.s32 @!p1 s20, s17  }
0x110: {  	s0 =	sadd.s32 @!p1 $0x9, s15;
	s15 =	sadd.s32 @!p6 s20, s17;
	v4 =	vmov @!p0 s7;
	s7 =	sadd.s32 @!p4 s20, s17  }
0x111: {  	s2 =	sadd.s32 @!p6 $0xB, s15;
	p6 =	por p4, p4;
	p4 =	sgt.f32 s25, s19  }
0x112: {  	[tilespmem:s6+$0x400] =	vst @!p0 v4;
	v4 =	vmov @!p5 s8;
	s6 =	simm.s32 $0x1;
	p0 =	sgt.f32 s24, s19;
	s8 =	sadd.s32 s11, s4  }
0x113: {  	[tilespmem:s21+$0x400] =	vst @!p5 v4;
	v4 =	vmov @!p1 s0;
	s0 =	sadd.s32 @!p6 $0xC, s7;
	p5 =	seq.s32 s31, $0x1;
	s6 =	simm.s32 @!p4 $0x0  }
0x114: {  	[tilespmem:s3+$0x400] =	vst @!p1 v4;
	v4 =	vmov @!p2 s5;
	p1 =	sgt.s32 @p4 s8, $0xFF;
	s3 =	simm.s32 $0x1;
	s5 =	sadd.s32 s6, s8  }
0x115: {  	[tilespmem:s9+$0x400] =	vst @!p2 v4;
	v4 =	vmov @!p3 s2;
	s2 =	sadd.s32 @!p5 s20, s17;
	p2 =	por p1, !p4;
	p1 =	sgt.s32 @p0 s5, $0xFF  }
0x116: {  	[tilespmem:s22+$0x400] =	vst @!p3 v4;
	v4 =	vmov @!p6 s0;
	s0 =	sadd.s32 @!p5 $0xD, s2;
	s2 =	sadd.s32 @!p2 s20, s17;
	p1 =	por p1, !p0  }
0x117: {  	s3 =	simm.s32 @!p0 $0x0;
	[tilespmem:s14+$0x400] =	vst @!p6 v4;
	v4 =	vmov @!p5 s0;
	s2 =	sadd.s32 @!p2 $0xE, s2;
	s6 =	sadd.s32 @!p1 s20, s17  }
0x118: {  	s0 =	sadd.s32 s3, s5;
	[tilespmem:s4+$0x400] =	vst @!p5 v4;
	v4 =	vmov @!p2 s2;
	s2 =	sadd.s32 @!p1 $0xF, s6  }
0x119: {  	p0 =	slt.s32 s0, $0x1;
	[tilespmem:s8+$0x400] =	vst @!p2 v4;
	v4 =	vmov @!p1 s2  }
0x11a: {  	s3 =	simm.s32 @!p0 $0x400;
	s4 =	simm.s32 @!p0 $0x580;
	s2 =	simm.s32 @!p0 $0x20;
	[tilespmem:s5+$0x400] =	vst @!p1 v4  }
0x11b: {  	[tilespmem:s4], [sflag:$0x1] =	stream.indirect.gather @!p0 [hbm4b:s1+s2], $0x80, s3, s2, $0xb8;
	[tilespmem:$0x8600] =	vst v63  }
0x11c: {  	p1 =	slt.u32 @!p0 s0, $0x21;
	s2 =	simm.s32 @!p0 $0x1  }
0x11d: {  	p1 =	por p0, p1;
	_ =	swait.ge @!p0 [sflag:s2], $0x1000  }
0x11e: {  	s3 =	simm.s32 @!p1 $0x420;
	[sflag:s2] =	ssyncset.done @!p0 $0x0  }
0x11f: {  	s4 =	simm.s32 @!p1 $0x1580;
	[sflag:s2] =	ssyncadd.s32 @!p0 $0xFFFFF000;
	s2 =	simm.s32 @!p1 $0x20  }
0x120: {  	[tilespmem:s4], [sflag:$0x1] =	stream.indirect.gather @!p1 [hbm4b:s1+s2], $0x80, s3, s2, $0xb8;
	[tilespmem:$0x8600] =	vst v63  }
0x121: {  	s2 =	simm.s32 @!p1 $0x1  }
0x122: {  	_ =	swait.ge @!p1 [sflag:s2], $0x1000  }
0x123: {  	p2 =	slt.u32 @!p1 s0, $0x41;
	[sflag:s2] =	ssyncset.done @!p1 $0x0  }
0x124: {  	[sflag:s2] =	ssyncadd.s32 @!p1 $0xFFFFF000;
	p1 =	por p1, p2  }
0x125: {  	s2 =	simm.s32 @!p1 $0x20  }
0x126: {  	s3 =	simm.s32 @!p1 $0x440;
	s4 =	simm.s32 @!p1 $0x2580;
	p2 =	slt.u32 @!p1 s0, $0x61  }
0x127: {  	[tilespmem:s4], [sflag:$0x1] =	stream.indirect.gather @!p1 [hbm4b:s1+s2], $0x80, s3, s2, $0xb8;
	[tilespmem:$0x8600] =	vst v63  }
0x128: {  	p2 =	por p1, p2  }
.Ltmp5:
0x129: {  	_ = 	snop;
	(pc) =	sbr.rel @p2 .LBB2_6-.Ltmp5, $4  }
0x12a: {  	s2 =	simm.s32 @!p1 $0x1  }
0x12b: {  	_ =	swait.ge @!p1 [sflag:s2], $0x1000  }
0x12c: {  	[sflag:s2] =	ssyncset.done @!p1 $0x0  }
0x12d: {  	[sflag:s2] =	ssyncadd.s32 @!p1 $0xFFFFF000  }
0x12e: {  	s2 =	simm.s32 $0x20  }
0x12f: {  	[tilespmem:s13], [sflag:$0x1] =	stream.indirect.gather [hbm4b:s1+s2], $0x80, s12, s2, $0xb8;
	[tilespmem:$0x8600] =	vst v63  }
0x130: {  	p1 =	slt.u32 s0, $0x81;
	_ =	swait.ge [sflag:s10], $0x1000  }
0x131: {  	s2 =	simm.s32 @!p1 $0x20;
	s3 =	simm.s32 @!p1 $0x480;
	[sflag:s10] =	ssyncset.done $0x0  }
0x132: {  	s4 =	simm.s32 @!p1 $0x4580;
	p2 =	slt.u32 @!p1 s0, $0xA1;
	[sflag:s10] =	ssyncadd.s32 $0xFFFFF000  }
0x133: {  	[tilespmem:s4], [sflag:$0x1] =	stream.indirect.gather @!p1 [hbm4b:s1+s2], $0x80, s3, s2, $0xb8;
	[tilespmem:$0x8600] =	vst v63  }
0x134: {  	p3 =	por p2, p1;
	s2 =	simm.s32 @!p1 $0x1  }
0x135: {  	p4 =	slt.u32 @!p3 s0, $0xC1;
	_ =	swait.ge @!p1 [sflag:s2], $0x1000  }
0x136: {  	p5 =	por @!p1 p4, p2;
	s3 =	simm.s32 @!p3 $0x4A0;
	[sflag:s2] =	ssyncset.done @!p1 $0x0  }
0x137: {  	s4 =	simm.s32 @!p3 $0x5580;
	[sflag:s2] =	ssyncadd.s32 @!p1 $0xFFFFF000;
	s2 =	simm.s32 @!p3 $0x20  }
0x138: {  	[tilespmem:s4], [sflag:$0x1] =	stream.indirect.gather @!p3 [hbm4b:s1+s2], $0x80, s3, s2, $0xb8;
	[tilespmem:$0x8600] =	vst v63  }
0x139: {  	p5 =	por p5, p1;
	s2 =	simm.s32 @!p3 $0x1  }
0x13a: {  	p6 =	slt.u32 @!p5 s0, $0xE1;
	_ =	swait.ge @!p3 [sflag:s2], $0x1000  }
0x13b: {  	s3 =	simm.s32 @!p5 $0x4C0;
	s4 =	simm.s32 @!p5 $0x6580;
	[sflag:s2] =	ssyncset.done @!p3 $0x0  }
0x13c: {  	[sflag:s2] =	ssyncadd.s32 @!p3 $0xFFFFF000;
	s2 =	simm.s32 @!p5 $0x20;
	p3 =	por @!p3 p6, p4  }
0x13d: {  	[tilespmem:s4], [sflag:$0x1] =	stream.indirect.gather @!p5 [hbm4b:s1+s2], $0x80, s3, s2, $0xb8;
	[tilespmem:$0x8600] =	vst v63  }
0x13e: {  	s2 =	simm.s32 @!p5 $0x1;
	p2 =	por @!p1 p3, p2  }
0x13f: {  	_ =	swait.ge @!p5 [sflag:s2], $0x1000;
	p1 =	por p2, p1  }
0x140: {  	[sflag:s2] =	ssyncset.done @!p5 $0x0;
	s3 =	simm.s32 @!p1 $0x4E0  }
0x141: {  	s4 =	simm.s32 @!p1 $0x7580;
	[sflag:s2] =	ssyncadd.s32 @!p5 $0xFFFFF000;
	s2 =	simm.s32 @!p1 $0x20  }
0x142: {  	[tilespmem:s4], [sflag:$0x1] =	stream.indirect.gather @!p1 [hbm4b:s1+s2], $0x80, s3, s2, $0xb8;
	[tilespmem:$0x8600] =	vst v63  }
0x143: {  	s2 =	simm.s32 @!p1 $0x1  }
0x144: {  	_ =	swait.ge @!p1 [sflag:s2], $0x1000  }
0x145: {  	[sflag:s2] =	ssyncset.done @!p1 $0x0  }
0x146: {  	[sflag:s2] =	ssyncadd.s32 @!p1 $0xFFFFF000  }
.LBB2_6:
.Ltmp6:
0x147: {  	(pc) =	sbr.rel .LBB2_7-.Ltmp6, $4  }
0x148: {  	_ = 	snop  }
0x149: {  	p1 =	sgt.s32 s0, $0x1  }
0x14a: {  	s0 =	simm.s32 @!p1 $0x1  }
0x14b: {  	v4 =	vmov s19;
	s20 =	simm.s32 $0x0;
	s19 =	smin.u32 s0, $0x100  }
.LBB2_8:
0x14c: {  	v6 =	vimm.f32 $0.0e+00  }
.LBB2_12:
0x14d: {  	(v2sf) =	vpush v5, $0x0  }
0x14e: {  	(v2sf) =	vpush v5, $0x1  }
0x14f: {  	(v2sf) =	vpush v5, $0x2  }
0x150: {  	(v2sf) =	vpush v5, $0x3  }
0x151: {  	(v2sf) =	vpush v5, $0x4  }
0x152: {  	(v2sf) =	vpush v5, $0x5  }
0x153: {  	(v2sf) =	vpush v5, $0x6  }
0x154: {  	(v2sf) =	vpush v5, $0x7  }
0x155: {  	(v2sf) =	vpush v5, $0x8  }
0x156: {  	(v2sf) =	vpush v5, $0x9  }
0x157: {  	(v2sf) =	vpush v5, $0xA  }
0x158: {  	(v2sf) =	vpush v5, $0xB  }
0x159: {  	(v2sf) =	vpush v5, $0xC  }
0x15a: {  	(v2sf) =	vpush v5, $0xD  }
0x15b: {  	(v2sf) =	vpush v5, $0xE  }
0x15c: {  	s0 =	spop (v2sf);
	(v2sf) =	vpush v5, $0xF  }
0x15d: {  	s2 =	spop (v2sf);
	(v2sf) =	vpush v6, $0x0  }
0x15e: {  	s3 =	spop (v2sf);
	(v2sf) =	vpush v6, $0x1  }
0x15f: {  	s4 =	spop (v2sf)  }
0x160: {  	(v2sf) =	vpush v6, $0x2;
	s5 =	spop (v2sf)  }
0x161: {  	s6 =	spop (v2sf)  }
0x162: {  	(v2sf) =	vpush v6, $0x3;
	s7 =	spop (v2sf)  }
0x163: {  	s8 =	spop (v2sf)  }
0x164: {  	(v2sf) =	vpush v6, $0x4;
	s9 =	spop (v2sf)  }
0x165: {  	s11 =	spop (v2sf)  }
0x166: {  	(v2sf) =	vpush v6, $0x5;
	s14 =	spop (v2sf)  }
0x167: {  	s15 =	spop (v2sf)  }
0x168: {  	(v2sf) =	vpush v6, $0x6;
	s16 =	spop (v2sf)  }
0x169: {  	s21 =	spop (v2sf)  }
0x16a: {  	(v2sf) =	vpush v6, $0x7;
	s22 =	spop (v2sf)  }
0x16b: {  	s23 =	spop (v2sf)  }
0x16c: {  	(v2sf) =	vpush v6, $0x8;
	s24 =	spop (v2sf)  }
0x16d: {  	s25 =	spop (v2sf)  }
0x16e: {  	(v2sf) =	vpush v6, $0x9;
	s24 =	sadd.f32 s25, s24  }
0x16f: {  	s31 =	spop (v2sf)  }
0x170: {  	(v2sf) =	vpush v6, $0xA;
	s24 =	sadd.f32 s24, s31  }
0x171: {  	s26 =	spop (v2sf)  }
0x172: {  	(v2sf) =	vpush v6, $0xB;
	s24 =	sadd.f32 s24, s26  }
0x173: {  	s28 =	spop (v2sf)  }
0x174: {  	(v2sf) =	vpush v6, $0xC;
	s24 =	sadd.f32 s24, s28  }
0x175: {  	s29 =	spop (v2sf)  }
0x176: {  	(v2sf) =	vpush v6, $0xD;
	s24 =	sadd.f32 s24, s29  }
0x177: {  	s0 =	sadd.f32 s2, s0;
	s30 =	spop (v2sf)  }
0x178: {  	(v2sf) =	vpush v6, $0xE;
	s2 =	sadd.f32 s24, s30  }
0x179: {  	s0 =	sadd.f32 s0, s3;
	s31 =	spop (v2sf)  }
0x17a: {  	(v2sf) =	vpush v6, $0xF;
	s2 =	sadd.f32 s2, s31  }
0x17b: {  	s0 =	sadd.f32 s0, s4;
	s4 =	spop (v2sf)  }
0x17c: {  	s2 =	sadd.f32 s2, s4  }
0x17d: {  	s0 =	sadd.f32 s0, s5;
	s24 =	spop (v2sf)  }
0x17e: {  	s2 =	sadd.f32 s2, s24  }
0x17f: {  	s0 =	sadd.f32 s0, s6;
	s25 =	spop (v2sf)  }
0x180: {  	s2 =	sadd.f32 s2, s25  }
0x181: {  	s0 =	sadd.f32 s0, s7;
	s26 =	spop (v2sf)  }
0x182: {  	s2 =	sadd.f32 s2, s26  }
0x183: {  	s0 =	sadd.f32 s0, s8;
	s28 =	spop (v2sf)  }
0x184: {  	s2 =	sadd.f32 s2, s28  }
0x185: {  	s0 =	sadd.f32 s0, s9;
	s29 =	spop (v2sf)  }
0x186: {  	s2 =	sadd.f32 s2, s29  }
0x187: {  	s0 =	sadd.f32 s0, s11;
	s30 =	spop (v2sf)  }
0x188: {  	s2 =	sadd.f32 s2, s30  }
0x189: {  	s0 =	sadd.f32 s0, s14;
	s31 =	spop (v2sf)  }
0x18a: {  	s2 =	sadd.f32 s2, s31  }
0x18b: {  	s0 =	sadd.f32 s0, s15  }
0x18c: {  	v5 =	vmov s2  }
0x18d: {  	s0 =	sadd.f32 s0, s16;
	v5 =	vmax.f32 v5, $1.000000000e+00  }
0x18e: {  	v5 =	vbroadcast v5, $0x0  }
0x18f: {  	s0 =	sadd.f32 s0, s21  }
0x190: {  	(erf) = vrcp.f32 v5  }
0x191: {  	s0 =	sadd.f32 s0, s22;
	_ =	sdelay $0x1  }
0x192: {  	s0 =	sadd.f32 s0, s23;
	_ =	sdelay $0x1  }
0x193: {  	v5 =	vmov s0  }
0x194: {  	v5 =	vadd.f32 $-1.000000000e+00, v5  }
0x195: {  	s20 =	sadd.s32 $0x1, s20  }
0x196: {  	p1 =	sne.s32 s20, $0xC;
	v5 =	vbroadcast v5, $0x0  }
.Ltmp7:
0x197: {  	v6 =	vpop (erf);
	(pc) =	sbr.rel @!p1 .LBB2_13-.Ltmp7, $2  }
0x198: {  	v5 =	vmul.f32 v6, v5;
	_ =	sdelay $0x1  }
0x199: {  	v4 =	vadd.f32 v5, v4;
	_ =	sdelay $0x1  }
.LBB2_7:
.Ltmp8:
0x19a: {  	(pc) =	sbr.rel @p0 .LBB2_8-.Ltmp8, $2  }
0x19b: {  	_ =	sdelay $0x2  }
0x19c: {  	v5 =	vimm.f32 $0.0e+00;
	s2 =	simm.s32 $0x5C0  }
0x19d: {  	v6 =	vld [tilespmem:s2+$0xFFFFFFC0]  }
0x19e: {  	v7 =	vld [tilespmem:s2+$0x20]  }
0x19f: {  	v8 =	vld [tilespmem:s2+$0xFFFFFFD0]  }
0x1a0: {  	v9 =	vld [tilespmem:s2+$0x0]  }
0x1a1: {  	v10 =	vld [tilespmem:s2+$0x10]  }
0x1a2: {  	v11 =	vld [tilespmem:s2+$0x30]  }
0x1a3: {  	v12 =	vld [tilespmem:s2+$0xFFFFFFE0];
	v17 =	vimm.f32 $0.0e+00  }
0x1a4: {  	v16 =	vimm.f32 $0.0e+00;
	v18 =	vimm.f32 $0.0e+00;
	v14 =	vimm.f32 $0.0e+00  }
0x1a5: {  	v19 =	vimm.f32 $0.0e+00;
	v6 =	vsub.f32 v6, v4;
	v8 =	vsub.f32 v8, v4  }
0x1a6: {  	v22 =	vimm.f32 $0.0e+00;
	v7 =	vsub.f32 v7, v4;
	v9 =	vsub.f32 v9, v4  }
0x1a7: {  	v20 =	vimm.f32 $0.0e+00;
	v15 =	vsub.f32 v10, v4;
	v21 =	vsub.f32 v11, v4  }
0x1a8: {  	v27 =	vsub.f32 v12, v4;
	v12 =	vimm.f32 $0.0e+00;
	vm0 =	vgt.f32 v6, $0.0e+00  }
0x1a9: {  	p1 =	sne.s32 s19, $0x1;
	vm15 =	vgt.f32 v8, $0.0e+00;
	v24 =	vmax.f32 v8, $0.0e+00;
	vm1 =	vgt.f32 v7, $0.0e+00  }
.Ltmp9:
0x1aa: {  	v26 =	vld [tilespmem:s2+$0xFFFFFFF0];
	vm2 =	vgt.f32 v9, $0.0e+00;
	v7 =	vmax.f32 v7, $0.0e+00;
	v13 =	vmax.f32 v6, $0.0e+00;
	(pc) =	sbr.rel @!p1 .LBB2_11-.Ltmp9, $4  }
0x1ab: {  	v25 =	vmax.f32 v9, $0.0e+00;
	v23 =	vsel vm0, $0x3F800000, v1;
	v8 =	vsel vm1, $0x3F800000, v1  }
0x1ac: {  	v10 =	vsel vm2, $0x3F800000, v1;
	v6 =	vadd.f32 v7, v5;
	v11 =	vadd.f32 v13, v5  }
0x1ad: {  	v28 =	vsel vm15, $0x3F800000, v1;
	v13 =	vimm.f32 $0.0e+00;
	v7 =	vadd.f32 v8, v5  }
0x1ae: {  	s0 =	sadd.s32 $0xFFFFFFFF, s19;
	s2 =	sadd.s32 $0x80, s2;
	v9 =	vadd.f32 v10, v5;
	v8 =	vimm.f32 $0.0e+00;
	v10 =	vimm.f32 $0.0e+00  }
.LBB2_10:
0x1af: {  	v29 =	vld [tilespmem:s2+$0xFFFFFFC0];
	p1 =	sne.s32 s0, $0x1;
	s0 =	sadd.s32 $0xFFFFFFFF, s0;
	v5 =	vadd.f32 v28, v5;
	v28 =	vsub.f32 v26, v4;
	vm0 =	vgt.f32 v21, $0.0e+00  }
0x1b0: {  	v17 =	vadd.f32 v23, v17;
	v30 =	vld [tilespmem:s2+$0x20];
	vm1 =	vgt.f32 v27, $0.0e+00;
	v23 =	vsel vm0, $0x3F800000, v1  }
0x1b1: {  	v16 =	vadd.f32 v24, v16;
	v12 =	vadd.f32 v25, v12;
	vm0 =	vgt.f32 v15, $0.0e+00;
	v31 =	vld [tilespmem:s2+$0xFFFFFFD0]  }
0x1b2: {  	v24 =	vsel vm1, $0x3F800000, v1;
	v32 =	vsel vm0, $0x3F800000, v1;
	v8 =	vadd.f32 v23, v8;
	v25 =	vld [tilespmem:s2+$0x30]  }
0x1b3: {  	v21 =	vmax.f32 v21, $0.0e+00;
	v27 =	vmax.f32 v27, $0.0e+00;
	v18 =	vadd.f32 v24, v18;
	v33 =	vld [tilespmem:s2+$0x0]  }
0x1b4: {  	v15 =	vmax.f32 v15, $0.0e+00;
	v10 =	vadd.f32 v21, v10;
	v29 =	vsub.f32 v29, v4;
	v34 =	vld [tilespmem:s2+$0x10]  }
0x1b5: {  	v21 =	vmax.f32 v28, $0.0e+00;
	v13 =	vadd.f32 v15, v13;
	v14 =	vadd.f32 v32, v14;
	v26 =	vld [tilespmem:s2+$0xFFFFFFF0]  }
0x1b6: {  	vm1 =	vgt.f32 v28, $0.0e+00;
	vm0 =	vgt.f32 v29, $0.0e+00;
	v15 =	vsub.f32 v31, v4;
	v31 =	vld [tilespmem:s2+$0xFFFFFFE0]  }
0x1b7: {  	v19 =	vadd.f32 v21, v19;
	v28 =	vsub.f32 v30, v4;
	v23 =	vsel vm0, $0x3F800000, v1  }
0x1b8: {  	v21 =	vsel vm1, $0x3F800000, v1;
	vm0 =	vgt.f32 v15, $0.0e+00;
	v30 =	vsub.f32 v33, v4  }
0x1b9: {  	v22 =	vadd.f32 v27, v22;
	vm1 =	vgt.f32 v28, $0.0e+00;
	v24 =	vmax.f32 v15, $0.0e+00  }
.Ltmp10:
0x1ba: {  	v27 =	vsel vm1, $0x3F800000, v1;
	v15 =	vsub.f32 v34, v4;
	vm2 =	vgt.f32 v30, $0.0e+00;
	(pc) =	sbr.rel @p1 .LBB2_10-.Ltmp10, $4  }
0x1bb: {  	v20 =	vadd.f32 v21, v20;
	v28 =	vmax.f32 v28, $0.0e+00;
	v32 =	vsel vm2, $0x3F800000, v1  }
0x1bc: {  	v29 =	vmax.f32 v29, $0.0e+00;
	v21 =	vsub.f32 v25, v4;
	v6 =	vadd.f32 v28, v6  }
0x1bd: {  	v11 =	vadd.f32 v29, v11;
	v7 =	vadd.f32 v27, v7;
	v25 =	vmax.f32 v30, $0.0e+00  }
0x1be: {  	s2 =	sadd.s32 $0x80, s2;
	v28 =	vsel vm0, $0x3F800000, v1;
	v27 =	vsub.f32 v31, v4;
	v9 =	vadd.f32 v32, v9  }
.LBB2_11:
0x1bf: {  	v5 =	vadd.f32 v28, v5  }
0x1c0: {  	v26 =	vsub.f32 v26, v4;
	v16 =	vadd.f32 v24, v16;
	vm0 =	vgt.f32 v27, $0.0e+00  }
0x1c1: {  	v17 =	vadd.f32 v23, v17;
	v54 =	vmax.f32 v27, $0.0e+00;
	v53 =	vsel vm0, $0x3F800000, v1  }
0x1c2: {  	v55 =	vmax.f32 v26, $0.0e+00;
	v22 =	vadd.f32 v54, v22;
	v11 =	vadd.f32 v16, v11  }
0x1c3: {  	vm13 =	vgt.f32 v26, $0.0e+00;
	v5 =	vadd.f32 v5, v17;
	v18 =	vadd.f32 v53, v18  }
0x1c4: {  	v56 =	vsel vm13, $0x3F800000, v1;
	v57 =	vadd.f32 v55, v19;
	v11 =	vadd.f32 v22, v11  }
0x1c5: {  	v58 =	vadd.f32 v56, v20;
	v5 =	vadd.f32 v18, v5  }
0x1c6: {  	v12 =	vadd.f32 v25, v12;
	v11 =	vadd.f32 v57, v11  }
0x1c7: {  	vm14 =	vgt.f32 v15, $0.0e+00;
	v60 =	vmax.f32 v15, $0.0e+00;
	v5 =	vadd.f32 v58, v5  }
0x1c8: {  	v59 =	vsel vm14, $0x3F800000, v1;
	v13 =	vadd.f32 v60, v13;
	v11 =	vadd.f32 v12, v11  }
0x1c9: {  	v14 =	vadd.f32 v59, v14;
	v5 =	vadd.f32 v9, v5  }
0x1ca: {  	v11 =	vadd.f32 v13, v11  }
.Ltmp11:
0x1cb: {  	vm15 =	vgt.f32 v21, $0.0e+00;
	v62 =	vmax.f32 v21, $0.0e+00;
	v5 =	vadd.f32 v14, v5;
	(pc) =	sbr.rel .LBB2_12-.Ltmp11, $4  }
0x1cc: {  	v61 =	vsel vm15, $0x3F800000, v1;
	v63 =	vadd.f32 v62, v10;
	v6 =	vadd.f32 v6, v11  }
0x1cd: {  	v8 =	vadd.f32 v61, v8;
	v7 =	vadd.f32 v7, v5  }
0x1ce: {  	v5 =	vadd.f32 v63, v6  }
0x1cf: {  	v6 =	vadd.f32 v8, v7  }
.LBB2_15:
0x1d0: {  	_ =	sfence.sel $0x180000  }
0x1d1: {  	[bflag:$0x0] =	sbarrier.arrive $0xFFFF  }
0x1d2: {  	_ =	strace $0x90000047  }
0x1d3: {  	s0 =	stileid.u32;
	[bflag:$0x2] =	sbarrier.arrive $0xFFFF  }
0x1d4: {  	p0 =	sne.s32 s0, $0x0;
	s0 =	rddreg [dreg:$0x2]  }
0x1d5: {  	s0 =	sadd.s32 @!p0 $0x100000, s0  }
0x1d6: {  	[sflag:s0] =	ssyncadd.tile.s32 @!p0 $0x1;
	_ =	shalt  }
.Lfunc_end2:
_tile_overlayer_lowered:
.L_overlay_start_2:
0x1d7: {  	(tag) =	ssettag $0x2  }
0x1d8: {  	s0 =	rddreg [dreg:$0x0];
	s2 =	stileid.u32  }
0x1d9: {  	s1 =	rddreg [dreg:$0x1];
	p0 =	sne.s32 s2, $0x0  }
0x1da: {  	s3 =	rddreg [dreg:$0x2];
	[bflag:$0x3] =	sbarrier.arrive $0xFFFF;
	s2 =	simm.s32 @!p0 $0x1C02  }
0x1db: {  	[timem:s3], [sflag:s2] =	dma.local @!p0 [hbm:s0], s1  }
0x1dc: {  	s0 =	simm.s32 @!p0 $0x2  }
0x1dd: {  	_ =	swait.ge @!p0 [sflag:s0], s1  }
0x1de: {  	s1 =	ssub.s32 @!p0 $0x0, s1;
	[sflag:s0] =	ssyncset.done @!p0 $0x0  }
0x1df: {  	[sflag:s0] =	ssyncadd.s32 @!p0 s1  }
0x1e0: {  	[bflag:$0x3] =	sbarrier.arrive $0xFFFF  }
0x1e1: {  	_ =	shalt  }

</sc_bundles>
